<compile_context>
chip_gen: v7x
topology: tpu7x:2x2x1
jax: 0.10.2.dev20260603
libtpu: 0.0.44.dev20260713+nightly
codegen_flags: <defaults>
</compile_context>

<pallas_src>
import jax
import jax.numpy as jnp
from jax import lax
from jax.experimental import pallas as pl
from jax.experimental.pallas import tpu as pltpu
from jax.experimental.pallas import tpu_sc as plsc

_B = 4096
_ND = 13
_NS = 26
_V = 100000
_D = 16
_REP = 64
_H1, _H2 = 256, 128
_NC, _NSUB = 2, 16
_NW = _NC * _NSUB
_BPW = _B // _NW


def _sc_e2_body(idx_hbm, e2t_hbm, xgt_out, idx_v, dst_v, sem):
    w = lax.axis_index("s") * _NC + lax.axis_index("c")
    col0 = w * _BPW
    pltpu.sync_copy(idx_hbm.at[:, pl.ds(col0, _BPW)], idx_v)

    def per_field(f, carry):
        iv = idx_v.at[f]
        for d in range(_D):
            pltpu.async_copy(e2t_hbm.at[f, d].at[iv], dst_v.at[f * _D + d],
                             sem)
        return carry

    lax.fori_loop(0, _NS, per_field, 0)
    pltpu.make_async_copy(xgt_out.at[:, pl.ds(col0, _BPW)], dst_v, sem).wait()
    pltpu.sync_copy(dst_v, xgt_out.at[:, pl.ds(col0, _BPW)])


def _sc_e2_gather(idx_t, e2t):
    return pl.kernel(
        _sc_e2_body,
        out_type=jax.ShapeDtypeStruct((_NS * _D, _B), jnp.float32),
        mesh=plsc.VectorSubcoreMesh(core_axis_name="c", subcore_axis_name="s"),
        scratch_types=[pltpu.VMEM((_NS, _BPW), jnp.int32),
                       pltpu.VMEM((_NS * _D, _BPW), jnp.float32),
                       pltpu.SemaphoreType.DMA],
        compiler_params=pltpu.CompilerParams(use_tc_tiling_on_sc=False),
    )(idx_t, e2t)


def _sc_e1_body(idx_hbm, e1_hbm, e1gt_out, idx_v, e1dst_v, sem):
    w = lax.axis_index("s") * _NC + lax.axis_index("c")
    col0 = w * _BPW
    pltpu.sync_copy(idx_hbm.at[:, pl.ds(col0, _BPW)], idx_v)

    def per_field(f, carry):
        pltpu.async_copy(e1_hbm.at[f].at[idx_v.at[f]], e1dst_v.at[f], sem)
        return carry

    lax.fori_loop(0, _NS, per_field, 0)
    pltpu.make_async_copy(e1gt_out.at[:, pl.ds(col0, _BPW)], e1dst_v,
                          sem).wait()
    pltpu.sync_copy(e1dst_v, e1gt_out.at[:, pl.ds(col0, _BPW)])


def _sc_e1_gather(idx_t, e1):
    return pl.kernel(
        _sc_e1_body,
        out_type=jax.ShapeDtypeStruct((_NS, _B), jnp.float32),
        mesh=plsc.VectorSubcoreMesh(core_axis_name="c", subcore_axis_name="s"),
        scratch_types=[pltpu.VMEM((_NS, _BPW), jnp.int32),
                       pltpu.VMEM((_NS, _BPW), jnp.float32),
                       pltpu.SemaphoreType.DMA],
        compiler_params=pltpu.CompilerParams(use_tc_tiling_on_sc=False),
    )(idx_t, e1)


_CBLK = 512


def _tc_body(xgt_ref, xdt_ref, rpt_ref, e1gt_ref,
             w1at_ref, w1bt_ref, w1ct_ref, bd1c_ref,
             wd2t_ref, bd2c_ref, wft_ref,
             w1dat_ref, w1dbt_ref, cb_ref,
             out_ref):
    f32 = jnp.float32

    def dot(a, b):
        return lax.dot_general(a, b, (((1,), (0,)), ((), ())),
                               preferred_element_type=f32)

    xg = xgt_ref[...]
    xd = xdt_ref[...]
    rp = rpt_ref[...]
    h1 = dot(w1at_ref[...], xg) + dot(w1bt_ref[...], xd) + dot(w1ct_ref[...], rp)
    h1 = jnp.maximum(h1 + bd1c_ref[...], 0.0)
    h2 = jnp.maximum(dot(wd2t_ref[...], h1) + bd2c_ref[...], 0.0)
    dnn = dot(wft_ref[...], h2)
    fm1d = dot(w1dat_ref[...], xd) + dot(w1dbt_ref[...], rp)
    r = lax.broadcasted_iota(jnp.int32, (_D, _NS * _D), 0)
    c = lax.broadcasted_iota(jnp.int32, (_D, _NS * _D), 1)
    m = ((c % _D) == r).astype(f32)
    s = dot(m, xg)
    ssq = dot(m, xg * xg)
    fm2 = 0.5 * jnp.sum(s * s - ssq, axis=0, keepdims=True)
    fm1s = jnp.sum(e1gt_ref[...], axis=0, keepdims=True)
    out_ref[...] = dnn + fm1d + fm2 + fm1s + cb_ref[...]


def _tc_dense(xgt, xdt, rpt, e1gt, w1at, w1bt, w1ct, bd1c, wd2t, bd2c, wft,
              w1dat, w1dbt, cb):
    def blk(nrows):
        return pl.BlockSpec((nrows, _CBLK), lambda i: (0, i))

    def full(shape):
        return pl.BlockSpec(shape, lambda i: (0, 0))

    return pl.pallas_call(
        _tc_body,
        grid=(_B // _CBLK,),
        in_specs=[blk(_NS * _D), blk(_ND), blk(_REP), blk(_NS),
                  full((_H1, _NS * _D)), full((_H1, _ND)), full((_H1, _REP)),
                  full((_H1, 1)),
                  full((_H2, _H1)), full((_H2, 1)), full((1, _H2)),
                  full((1, _ND)), full((1, _REP)), full((1, 1))],
        out_specs=pl.BlockSpec((1, _CBLK), lambda i: (0, i)),
        out_shape=jax.ShapeDtypeStruct((1, _B), jnp.float32),
    )(xgt, xdt, rpt, e1gt, w1at, w1bt, w1ct, bd1c, wd2t, bd2c, wft,
      w1dat, w1dbt, cb)


def kernel(representation, target_x, e1, e2, W1d, b1d, Wd1, bd1, Wd2, bd2, Wf, bf):
    txt = target_x.T
    idx_t = txt[_ND:].astype(jnp.int32)
    e2t = e2.transpose(0, 2, 1)
    e1gt = _sc_e1_gather(idx_t, e1)
    xgt = _sc_e2_gather(idx_t, e2t)
    outt = _tc_dense(
        xgt, txt[:_ND], representation.T, e1gt,
        Wd1[:_NS * _D].T, Wd1[_NS * _D:_NS * _D + _ND].T, Wd1[_NS * _D + _ND:].T,
        bd1.reshape(_H1, 1), Wd2.T, bd2.reshape(_H2, 1), Wf.T,
        W1d[:_ND].T, W1d[_ND:].T, (b1d + bf).reshape(1, 1))
    return outt.reshape(_B, 1)

# --- scband reference (transcript-rebuilt; emitter-appended) ---
"""Pipeline reference for scband-deterministic-decoder-65730179498244 (READ-ONLY COPY).

The authoritative reference and input builder live on the scoring server;
editing this copy changes nothing except your own understanding.
"""

import jax, jax.numpy as jnp
import numpy as np

B = 4096
N_DENSE = 13
N_SPARSE = 26
V = 100000
D = 16
REP = 64
DNN_IN = N_DENSE + N_SPARSE * D + REP  # 493
H1, H2 = 256, 128


def setup_inputs(seed: int = 0) -> dict:
    key = jax.random.key(seed)
    ks = jax.random.split(key, 12)
    representation = jax.random.normal(ks[0], (B, REP), dtype=jnp.float32)
    dense = jax.random.normal(ks[1], (B, N_DENSE), dtype=jnp.float32)
    sparse = jax.random.randint(ks[2], (B, N_SPARSE), 0, V).astype(jnp.float32)
    target_x = jnp.concatenate([dense, sparse], axis=1)
    # stacked per-field embedding tables (equal vocab per field)
    e1 = jax.random.normal(ks[3], (N_SPARSE, V), dtype=jnp.float32) * 0.01
    e2 = jax.random.normal(ks[4], (N_SPARSE, V, D), dtype=jnp.float32) * 0.01
    W1d = jax.random.normal(ks[5], (N_DENSE + REP, 1), dtype=jnp.float32) * 0.05
    b1d = jnp.zeros((1,), dtype=jnp.float32)
    Wd1 = jax.random.normal(ks[6], (DNN_IN, H1), dtype=jnp.float32) * 0.02
    bd1 = jnp.zeros((H1,), dtype=jnp.float32)
    Wd2 = jax.random.normal(ks[7], (H1, H2), dtype=jnp.float32) * 0.02
    bd2 = jnp.zeros((H2,), dtype=jnp.float32)
    Wf = jax.random.normal(ks[8], (H2, 1), dtype=jnp.float32) * 0.05
    bf = jnp.zeros((1,), dtype=jnp.float32)
    return {"representation": representation, "target_x": target_x,
            "e1": e1, "e2": e2, "W1d": W1d, "b1d": b1d,
            "Wd1": Wd1, "bd1": bd1, "Wd2": Wd2, "bd2": bd2,
            "Wf": Wf, "bf": bf}


def reference(representation, target_x, e1, e2, W1d, b1d, Wd1, bd1, Wd2, bd2, Wf, bf):
    dense_input = target_x[:, :N_DENSE]
    sparse_inputs = target_x[:, N_DENSE:].astype(jnp.int32)  # [B, 26]
    dense_input = jnp.concatenate([dense_input, representation], axis=-1)  # [B, 77]

    field_idx = jnp.arange(N_SPARSE)[None, :]
    # FM 1st order: per-field scalar embedding gather -> [B, 26]
    fm_1st_sparse = e1[field_idx, sparse_inputs]
    fm_1st_sparse_res = jnp.sum(fm_1st_sparse, axis=1, keepdims=True)  # [B, 1]
    fm_1st_dense_res = dense_input @ W1d + b1d
    fm_1st_part = fm_1st_sparse_res + fm_1st_dense_res

    # FM 2nd order: per-field embedding gather -> [B, 26, 16]
    fm_2nd_concat_1d = e2[field_idx, sparse_inputs]
    sum_embed = jnp.sum(fm_2nd_concat_1d, axis=1)          # [B, 16]
    square_sum_embed = sum_embed * sum_embed
    square_embed = fm_2nd_concat_1d * fm_2nd_concat_1d
    sum_square_embed = jnp.sum(square_embed, axis=1)       # [B, 16]
    sub = (square_sum_embed - sum_square_embed) * 0.5
    fm_2nd_part = jnp.sum(sub, axis=1, keepdims=True)      # [B, 1]

    # DNN
    dnn_out = fm_2nd_concat_1d.reshape(fm_2nd_concat_1d.shape[0], -1)  # [B, 416]
    dnn_out = jnp.concatenate([dnn_out, dense_input], axis=-1)          # [B, 493]
    dnn_out = jax.nn.relu(dnn_out @ Wd1 + bd1)
    dnn_out = jax.nn.relu(dnn_out @ Wd2 + bd2)
    dnn_out = dnn_out @ Wf + bf                                          # [B, 1]

    outputs = fm_1st_part + fm_2nd_part + dnn_out
    return outputs

if __name__ == "__main__":
    import jax
    _d = setup_inputs()
    print(jax.jit(kernel)(*tuple(_d.values())))

</pallas_src>

<mosaic_0001>
#map = affine_map<(d0, d1) -> (0, 0)>
module attributes {stable_mosaic.version = 14 : i64} {
  func.func @_sc_e1_body(%arg0: i32, %arg1: i32, %arg2: memref<26x4096xi32, #tpu.memory_space<hbm>>, %arg3: memref<26x100000xf32, #tpu.memory_space<hbm>>, %arg4: memref<26x4096xf32, #tpu.memory_space<hbm>>, %arg5: memref<26x128xi32, #tpu.memory_space<vmem>>, %arg6: memref<26x128xf32, #tpu.memory_space<vmem>>, %arg7: memref<!tpu.dma_semaphore, #tpu.memory_space<semaphore_mem>>) attributes {dimension_semantics = [#tpu.dimension_semantics<core_parallel>, #tpu.dimension_semantics<subcore_parallel>], iteration_bounds = array<i64: 2, 16>, scalar_prefetch = 0 : i64, scratch_operands = 3 : i64, tpu.core_type = #tpu.core_type<sc_vector_subcore>, window_params = [{transform_indices = #map}, {transform_indices = #map}, {transform_indices = #map}]} {
    %mul3A = arith.constant 2 : i32
    %mul3A_0 = arith.muli %arg1, %mul3A : i32
    %add3A = arith.addi %mul3A_0, %arg0 : i32
    %mul3A_1 = arith.constant 128 : i32
    %mul3A_2 = arith.muli %add3A, %mul3A_1 : i32
    "tpu.region"() ({
      %run_scoped3A = tpu.sem_alloc : memref<!tpu.dma_semaphore, #tpu.memory_space<semaphore_mem>>
      %dma_start3A = arith.constant 0 : i32
      %dma_start3A_11 = tpu.memref_slice %arg2[%dma_start3A, %mul3A_2] : memref<26x4096xi32, #tpu.memory_space<hbm>> -> memref<26x128xi32, #tpu.memory_space<hbm>>
      %dma_start3A_12 = arith.constant 0 : i32
      %dma_start3A_13 = tpu.memref_slice %arg2[%dma_start3A_12, %mul3A_2] : memref<26x4096xi32, #tpu.memory_space<hbm>> -> memref<26x128xi32, #tpu.memory_space<hbm>>
      tpu.enqueue_dma source(%dma_start3A_13 : memref<26x128xi32, #tpu.memory_space<hbm>>) target(%arg5 : memref<26x128xi32, #tpu.memory_space<vmem>>) target_semaphore(%run_scoped3A : memref<!tpu.dma_semaphore, #tpu.memory_space<semaphore_mem>>)
      %dma_wait3A_14 = arith.constant 0 : i32
      %dma_wait3A_15 = tpu.memref_slice %arg2[%dma_wait3A_14, %mul3A_2] : memref<26x4096xi32, #tpu.memory_space<hbm>> -> memref<26x128xi32, #tpu.memory_space<hbm>>
      %dma_wait3A_16 = arith.constant 0 : i32
      %dma_wait3A_17 = tpu.memref_slice %arg2[%dma_wait3A_16, %mul3A_2] : memref<26x4096xi32, #tpu.memory_space<hbm>> -> memref<26x128xi32, #tpu.memory_space<hbm>>
      tpu.wait_dma2 semaphore(%run_scoped3A : memref<!tpu.dma_semaphore, #tpu.memory_space<semaphore_mem>>) src(%dma_wait3A_17 : memref<26x128xi32, #tpu.memory_space<hbm>>) dst(%arg5 : memref<26x128xi32, #tpu.memory_space<vmem>>)
      tpu.yield
    }) : () -> ()
    %scan3A = arith.constant 0 : i32
    %scan3A_3 = arith.constant 0 : i32
    %scan3A_4 = arith.constant 26 : i32
    %scan3A_5 = arith.addi %scan3A_3, %scan3A_4 : i32
    %scan3A_6 = arith.constant 1 : i32
    scf.for %scan3A_11 = %scan3A_3 to %scan3A_5 step %scan3A_6  : i32 {
      %dma_start3A = arith.constant 0 : i32
      %dma_start3A_12 = tpu.memref_slice %arg6[%scan3A_11, %dma_start3A] : memref<26x128xf32, #tpu.memory_space<vmem>> -> memref<1x128xf32, #tpu.memory_space<vmem>>
      %dma_start3A_13 = tpu.memref_squeeze %dma_start3A_12 : memref<1x128xf32, #tpu.memory_space<vmem>> -> memref<128xf32, #tpu.memory_space<vmem>>
      %dma_start3A_14 = arith.constant 0 : i32
      %dma_start3A_15 = tpu.memref_slice %arg5[%scan3A_11, %dma_start3A_14] : memref<26x128xi32, #tpu.memory_space<vmem>> -> memref<1x128xi32, #tpu.memory_space<vmem>>
      %dma_start3A_16 = tpu.memref_squeeze %dma_start3A_15 : memref<1x128xi32, #tpu.memory_space<vmem>> -> memref<128xi32, #tpu.memory_space<vmem>>
      %dma_start3A_17 = arith.constant 0 : i32
      %dma_start3A_18 = tpu.memref_slice %arg3[%scan3A_11, %dma_start3A_17] : memref<26x100000xf32, #tpu.memory_space<hbm>> -> memref<1x100000xf32, #tpu.memory_space<hbm>>
      %dma_start3A_19 = tpu.memref_squeeze %dma_start3A_18 : memref<1x100000xf32, #tpu.memory_space<hbm>> -> memref<100000xf32, #tpu.memory_space<hbm>>
      %dma_start3A_20 = arith.constant 0 : i32
      %dma_start3A_21 = tpu.memref_slice %dma_start3A_19[%dma_start3A_20] : memref<100000xf32, #tpu.memory_space<hbm>> -> memref<100000xf32, #tpu.memory_space<hbm>>
      tpu.enqueue_indirect_dma source(%dma_start3A_21 : memref<100000xf32, #tpu.memory_space<hbm>>) target(%dma_start3A_13 : memref<128xf32, #tpu.memory_space<vmem>>) offsets(%dma_start3A_16 : memref<128xi32, #tpu.memory_space<vmem>>) semaphore(%arg7 : memref<!tpu.dma_semaphore, #tpu.memory_space<semaphore_mem>>)
    }
    %scan3A_7 = arith.constant 26 : i32
    %dma_wait3A = arith.constant 0 : i32
    %dma_wait3A_8 = tpu.memref_slice %arg4[%dma_wait3A, %mul3A_2] : memref<26x4096xf32, #tpu.memory_space<hbm>> -> memref<26x128xf32, #tpu.memory_space<hbm>>
    %dma_wait3A_9 = arith.constant 0 : i32
    %dma_wait3A_10 = tpu.memref_slice %arg4[%dma_wait3A_9, %mul3A_2] : memref<26x4096xf32, #tpu.memory_space<hbm>> -> memref<26x128xf32, #tpu.memory_space<hbm>>
    tpu.wait_dma2 semaphore(%arg7 : memref<!tpu.dma_semaphore, #tpu.memory_space<semaphore_mem>>) src(%dma_wait3A_10 : memref<26x128xf32, #tpu.memory_space<hbm>>) dst(%arg6 : memref<26x128xf32, #tpu.memory_space<vmem>>)
    "tpu.region"() ({
      %run_scoped3A = tpu.sem_alloc : memref<!tpu.dma_semaphore, #tpu.memory_space<semaphore_mem>>
      %dma_start3A = arith.constant 0 : i32
      %dma_start3A_11 = tpu.memref_slice %arg4[%dma_start3A, %mul3A_2] : memref<26x4096xf32, #tpu.memory_space<hbm>> -> memref<26x128xf32, #tpu.memory_space<hbm>>
      %dma_start3A_12 = arith.constant 0 : i32
      %dma_start3A_13 = tpu.memref_slice %arg4[%dma_start3A_12, %mul3A_2] : memref<26x4096xf32, #tpu.memory_space<hbm>> -> memref<26x128xf32, #tpu.memory_space<hbm>>
      tpu.enqueue_dma source(%arg6 : memref<26x128xf32, #tpu.memory_space<vmem>>) target(%dma_start3A_13 : memref<26x128xf32, #tpu.memory_space<hbm>>) target_semaphore(%run_scoped3A : memref<!tpu.dma_semaphore, #tpu.memory_space<semaphore_mem>>)
      %dma_wait3A_14 = arith.constant 0 : i32
      %dma_wait3A_15 = tpu.memref_slice %arg4[%dma_wait3A_14, %mul3A_2] : memref<26x4096xf32, #tpu.memory_space<hbm>> -> memref<26x128xf32, #tpu.memory_space<hbm>>
      %dma_wait3A_16 = arith.constant 0 : i32
      %dma_wait3A_17 = tpu.memref_slice %arg4[%dma_wait3A_16, %mul3A_2] : memref<26x4096xf32, #tpu.memory_space<hbm>> -> memref<26x128xf32, #tpu.memory_space<hbm>>
      tpu.wait_dma2 semaphore(%run_scoped3A : memref<!tpu.dma_semaphore, #tpu.memory_space<semaphore_mem>>) src(%arg6 : memref<26x128xf32, #tpu.memory_space<vmem>>) dst(%dma_wait3A_17 : memref<26x128xf32, #tpu.memory_space<hbm>>)
      tpu.yield
    }) : () -> ()
    return
  }
}

#map = affine_map<(d0, d1) -> (0, 0)>
#map1 = affine_map<(d0, d1) -> (0, 0, 0)>
module attributes {stable_mosaic.version = 14 : i64} {
  func.func @_sc_e2_body(%arg0: i32, %arg1: i32, %arg2: memref<26x4096xi32, #tpu.memory_space<hbm>>, %arg3: memref<26x16x100000xf32, #tpu.memory_space<hbm>>, %arg4: memref<416x4096xf32, #tpu.memory_space<hbm>>, %arg5: memref<26x128xi32, #tpu.memory_space<vmem>>, %arg6: memref<416x128xf32, #tpu.memory_space<vmem>>, %arg7: memref<!tpu.dma_semaphore, #tpu.memory_space<semaphore_mem>>) attributes {dimension_semantics = [#tpu.dimension_semantics<core_parallel>, #tpu.dimension_semantics<subcore_parallel>], iteration_bounds = array<i64: 2, 16>, scalar_prefetch = 0 : i64, scratch_operands = 3 : i64, tpu.core_type = #tpu.core_type<sc_vector_subcore>, window_params = [{transform_indices = #map}, {transform_indices = #map1}, {transform_indices = #map}]} {
    %mul3A = arith.constant 2 : i32
    %mul3A_0 = arith.muli %arg1, %mul3A : i32
    %add3A = arith.addi %mul3A_0, %arg0 : i32
    %mul3A_1 = arith.constant 128 : i32
    %mul3A_2 = arith.muli %add3A, %mul3A_1 : i32
    "tpu.region"() ({
      %run_scoped3A = tpu.sem_alloc : memref<!tpu.dma_semaphore, #tpu.memory_space<semaphore_mem>>
      %dma_start3A = arith.constant 0 : i32
      %dma_start3A_11 = tpu.memref_slice %arg2[%dma_start3A, %mul3A_2] : memref<26x4096xi32, #tpu.memory_space<hbm>> -> memref<26x128xi32, #tpu.memory_space<hbm>>
      %dma_start3A_12 = arith.constant 0 : i32
      %dma_start3A_13 = tpu.memref_slice %arg2[%dma_start3A_12, %mul3A_2] : memref<26x4096xi32, #tpu.memory_space<hbm>> -> memref<26x128xi32, #tpu.memory_space<hbm>>
      tpu.enqueue_dma source(%dma_start3A_13 : memref<26x128xi32, #tpu.memory_space<hbm>>) target(%arg5 : memref<26x128xi32, #tpu.memory_space<vmem>>) target_semaphore(%run_scoped3A : memref<!tpu.dma_semaphore, #tpu.memory_space<semaphore_mem>>)
      %dma_wait3A_14 = arith.constant 0 : i32
      %dma_wait3A_15 = tpu.memref_slice %arg2[%dma_wait3A_14, %mul3A_2] : memref<26x4096xi32, #tpu.memory_space<hbm>> -> memref<26x128xi32, #tpu.memory_space<hbm>>
      %dma_wait3A_16 = arith.constant 0 : i32
      %dma_wait3A_17 = tpu.memref_slice %arg2[%dma_wait3A_16, %mul3A_2] : memref<26x4096xi32, #tpu.memory_space<hbm>> -> memref<26x128xi32, #tpu.memory_space<hbm>>
      tpu.wait_dma2 semaphore(%run_scoped3A : memref<!tpu.dma_semaphore, #tpu.memory_space<semaphore_mem>>) src(%dma_wait3A_17 : memref<26x128xi32, #tpu.memory_space<hbm>>) dst(%arg5 : memref<26x128xi32, #tpu.memory_space<vmem>>)
      tpu.yield
    }) : () -> ()
    %scan3A = arith.constant 0 : i32
    %scan3A_3 = arith.constant 0 : i32
    %scan3A_4 = arith.constant 26 : i32
    %scan3A_5 = arith.addi %scan3A_3, %scan3A_4 : i32
    %scan3A_6 = arith.constant 1 : i32
    scf.for %scan3A_11 = %scan3A_3 to %scan3A_5 step %scan3A_6  : i32 {
      %mul3A_12 = arith.constant 16 : i32
      %mul3A_13 = arith.muli %scan3A_11, %mul3A_12 : i32
      %add3A_14 = arith.constant 0 : i32
      %add3A_15 = arith.addi %mul3A_13, %add3A_14 : i32
      %dma_start3A = arith.constant 0 : i32
      %dma_start3A_16 = arith.constant 0 : i32
      %dma_start3A_17 = tpu.memref_slice %arg6[%add3A_15, %dma_start3A_16] : memref<416x128xf32, #tpu.memory_space<vmem>> -> memref<1x128xf32, #tpu.memory_space<vmem>>
      %dma_start3A_18 = tpu.memref_squeeze %dma_start3A_17 : memref<1x128xf32, #tpu.memory_space<vmem>> -> memref<128xf32, #tpu.memory_space<vmem>>
      %dma_start3A_19 = arith.constant 0 : i32
      %dma_start3A_20 = tpu.memref_slice %arg5[%scan3A_11, %dma_start3A_19] : memref<26x128xi32, #tpu.memory_space<vmem>> -> memref<1x128xi32, #tpu.memory_space<vmem>>
      %dma_start3A_21 = tpu.memref_squeeze %dma_start3A_20 : memref<1x128xi32, #tpu.memory_space<vmem>> -> memref<128xi32, #tpu.memory_space<vmem>>
      %dma_start3A_22 = arith.constant 0 : i32
      %dma_start3A_23 = tpu.memref_slice %arg3[%scan3A_11, %dma_start3A, %dma_start3A_22] : memref<26x16x100000xf32, #tpu.memory_space<hbm>> -> memref<1x1x100000xf32, #tpu.memory_space<hbm>>
      %dma_start3A_24 = tpu.memref_squeeze %dma_start3A_23 : memref<1x1x100000xf32, #tpu.memory_space<hbm>> -> memref<100000xf32, #tpu.memory_space<hbm>>
      %dma_start3A_25 = arith.constant 0 : i32
      %dma_start3A_26 = tpu.memref_slice %dma_start3A_24[%dma_start3A_25] : memref<100000xf32, #tpu.memory_space<hbm>> -> memref<100000xf32, #tpu.memory_space<hbm>>
      tpu.enqueue_indirect_dma source(%dma_start3A_26 : memref<100000xf32, #tpu.memory_space<hbm>>) target(%dma_start3A_18 : memref<128xf32, #tpu.memory_space<vmem>>) offsets(%dma_start3A_21 : memref<128xi32, #tpu.memory_space<vmem>>) semaphore(%arg7 : memref<!tpu.dma_semaphore, #tpu.memory_space<semaphore_mem>>)
      %mul3A_27 = arith.constant 16 : i32
      %mul3A_28 = arith.muli %scan3A_11, %mul3A_27 : i32
      %add3A_29 = arith.constant 1 : i32
      %add3A_30 = arith.addi %mul3A_28, %add3A_29 : i32
      %dma_start3A_31 = arith.constant 1 : i32
      %dma_start3A_32 = arith.constant 0 : i32
      %dma_start3A_33 = tpu.memref_slice %arg6[%add3A_30, %dma_start3A_32] : memref<416x128xf32, #tpu.memory_space<vmem>> -> memref<1x128xf32, #tpu.memory_space<vmem>>
      %dma_start3A_34 = tpu.memref_squeeze %dma_start3A_33 : memref<1x128xf32, #tpu.memory_space<vmem>> -> memref<128xf32, #tpu.memory_space<vmem>>
      %dma_start3A_35 = arith.constant 0 : i32
      %dma_start3A_36 = tpu.memref_slice %arg5[%scan3A_11, %dma_start3A_35] : memref<26x128xi32, #tpu.memory_space<vmem>> -> memref<1x128xi32, #tpu.memory_space<vmem>>
      %dma_start3A_37 = tpu.memref_squeeze %dma_start3A_36 : memref<1x128xi32, #tpu.memory_space<vmem>> -> memref<128xi32, #tpu.memory_space<vmem>>
      %dma_start3A_38 = arith.constant 0 : i32
      %dma_start3A_39 = tpu.memref_slice %arg3[%scan3A_11, %dma_start3A_31, %dma_start3A_38] : memref<26x16x100000xf32, #tpu.memory_space<hbm>> -> memref<1x1x100000xf32, #tpu.memory_space<hbm>>
      %dma_start3A_40 = tpu.memref_squeeze %dma_start3A_39 : memref<1x1x100000xf32, #tpu.memory_space<hbm>> -> memref<100000xf32, #tpu.memory_space<hbm>>
      %dma_start3A_41 = arith.constant 0 : i32
      %dma_start3A_42 = tpu.memref_slice %dma_start3A_40[%dma_start3A_41] : memref<100000xf32, #tpu.memory_space<hbm>> -> memref<100000xf32, #tpu.memory_space<hbm>>
      tpu.enqueue_indirect_dma source(%dma_start3A_42 : memref<100000xf32, #tpu.memory_space<hbm>>) target(%dma_start3A_34 : memref<128xf32, #tpu.memory_space<vmem>>) offsets(%dma_start3A_37 : memref<128xi32, #tpu.memory_space<vmem>>) semaphore(%arg7 : memref<!tpu.dma_semaphore, #tpu.memory_space<semaphore_mem>>)
      %mul3A_43 = arith.constant 16 : i32
      %mul3A_44 = arith.muli %scan3A_11, %mul3A_43 : i32
      %add3A_45 = arith.constant 2 : i32
      %add3A_46 = arith.addi %mul3A_44, %add3A_45 : i32
      %dma_start3A_47 = arith.constant 2 : i32
      %dma_start3A_48 = arith.constant 0 : i32
      %dma_start3A_49 = tpu.memref_slice %arg6[%add3A_46, %dma_start3A_48] : memref<416x128xf32, #tpu.memory_space<vmem>> -> memref<1x128xf32, #tpu.memory_space<vmem>>
      %dma_start3A_50 = tpu.memref_squeeze %dma_start3A_49 : memref<1x128xf32, #tpu.memory_space<vmem>> -> memref<128xf32, #tpu.memory_space<vmem>>
      %dma_start3A_51 = arith.constant 0 : i32
      %dma_start3A_52 = tpu.memref_slice %arg5[%scan3A_11, %dma_start3A_51] : memref<26x128xi32, #tpu.memory_space<vmem>> -> memref<1x128xi32, #tpu.memory_space<vmem>>
      %dma_start3A_53 = tpu.memref_squeeze %dma_start3A_52 : memref<1x128xi32, #tpu.memory_space<vmem>> -> memref<128xi32, #tpu.memory_space<vmem>>
      %dma_start3A_54 = arith.constant 0 : i32
      %dma_start3A_55 = tpu.memref_slice %arg3[%scan3A_11, %dma_start3A_47, %dma_start3A_54] : memref<26x16x100000xf32, #tpu.memory_space<hbm>> -> memref<1x1x100000xf32, #tpu.memory_space<hbm>>
      %dma_start3A_56 = tpu.memref_squeeze %dma_start3A_55 : memref<1x1x100000xf32, #tpu.memory_space<hbm>> -> memref<100000xf32, #tpu.memory_space<hbm>>
      %dma_start3A_57 = arith.constant 0 : i32
      %dma_start3A_58 = tpu.memref_slice %dma_start3A_56[%dma_start3A_57] : memref<100000xf32, #tpu.memory_space<hbm>> -> memref<100000xf32, #tpu.memory_space<hbm>>
      tpu.enqueue_indirect_dma source(%dma_start3A_58 : memref<100000xf32, #tpu.memory_space<hbm>>) target(%dma_start3A_50 : memref<128xf32, #tpu.memory_space<vmem>>) offsets(%dma_start3A_53 : memref<128xi32, #tpu.memory_space<vmem>>) semaphore(%arg7 : memref<!tpu.dma_semaphore, #tpu.memory_space<semaphore_mem>>)
      %mul3A_59 = arith.constant 16 : i32
      %mul3A_60 = arith.muli %scan3A_11, %mul3A_59 : i32
      %add3A_61 = arith.constant 3 : i32
      %add3A_62 = arith.addi %mul3A_60, %add3A_61 : i32
      %dma_start3A_63 = arith.constant 3 : i32
      %dma_start3A_64 = arith.constant 0 : i32
      %dma_start3A_65 = tpu.memref_slice %arg6[%add3A_62, %dma_start3A_64] : memref<416x128xf32, #tpu.memory_space<vmem>> -> memref<1x128xf32, #tpu.memory_space<vmem>>
      %dma_start3A_66 = tpu.memref_squeeze %dma_start3A_65 : memref<1x128xf32, #tpu.memory_space<vmem>> -> memref<128xf32, #tpu.memory_space<vmem>>
      %dma_start3A_67 = arith.constant 0 : i32
      %dma_start3A_68 = tpu.memref_slice %arg5[%scan3A_11, %dma_start3A_67] : memref<26x128xi32, #tpu.memory_space<vmem>> -> memref<1x128xi32, #tpu.memory_space<vmem>>
      %dma_start3A_69 = tpu.memref_squeeze %dma_start3A_68 : memref<1x128xi32, #tpu.memory_space<vmem>> -> memref<128xi32, #tpu.memory_space<vmem>>
      %dma_start3A_70 = arith.constant 0 : i32
      %dma_start3A_71 = tpu.memref_slice %arg3[%scan3A_11, %dma_start3A_63, %dma_start3A_70] : memref<26x16x100000xf32, #tpu.memory_space<hbm>> -> memref<1x1x100000xf32, #tpu.memory_space<hbm>>
      %dma_start3A_72 = tpu.memref_squeeze %dma_start3A_71 : memref<1x1x100000xf32, #tpu.memory_space<hbm>> -> memref<100000xf32, #tpu.memory_space<hbm>>
      %dma_start3A_73 = arith.constant 0 : i32
      %dma_start3A_74 = tpu.memref_slice %dma_start3A_72[%dma_start3A_73] : memref<100000xf32, #tpu.memory_space<hbm>> -> memref<100000xf32, #tpu.memory_space<hbm>>
      tpu.enqueue_indirect_dma source(%dma_start3A_74 : memref<100000xf32, #tpu.memory_space<hbm>>) target(%dma_start3A_66 : memref<128xf32, #tpu.memory_space<vmem>>) offsets(%dma_start3A_69 : memref<128xi32, #tpu.memory_space<vmem>>) semaphore(%arg7 : memref<!tpu.dma_semaphore, #tpu.memory_space<semaphore_mem>>)
      %mul3A_75 = arith.constant 16 : i32
      %mul3A_76 = arith.muli %scan3A_11, %mul3A_75 : i32
      %add3A_77 = arith.constant 4 : i32
      %add3A_78 = arith.addi %mul3A_76, %add3A_77 : i32
      %dma_start3A_79 = arith.constant 4 : i32
      %dma_start3A_80 = arith.constant 0 : i32
      %dma_start3A_81 = tpu.memref_slice %arg6[%add3A_78, %dma_start3A_80] : memref<416x128xf32, #tpu.memory_space<vmem>> -> memref<1x128xf32, #tpu.memory_space<vmem>>
      %dma_start3A_82 = tpu.memref_squeeze %dma_start3A_81 : memref<1x128xf32, #tpu.memory_space<vmem>> -> memref<128xf32, #tpu.memory_space<vmem>>
      %dma_start3A_83 = arith.constant 0 : i32
      %dma_start3A_84 = tpu.memref_slice %arg5[%scan3A_11, %dma_start3A_83] : memref<26x128xi32, #tpu.memory_space<vmem>> -> memref<1x128xi32, #tpu.memory_space<vmem>>
      %dma_start3A_85 = tpu.memref_squeeze %dma_start3A_84 : memref<1x128xi32, #tpu.memory_space<vmem>> -> memref<128xi32, #tpu.memory_space<vmem>>
      %dma_start3A_86 = arith.constant 0 : i32
      %dma_start3A_87 = tpu.memref_slice %arg3[%scan3A_11, %dma_start3A_79, %dma_start3A_86] : memref<26x16x100000xf32, #tpu.memory_space<hbm>> -> memref<1x1x100000xf32, #tpu.memory_space<hbm>>
      %dma_start3A_88 = tpu.memref_squeeze %dma_start3A_87 : memref<1x1x100000xf32, #tpu.memory_space<hbm>> -> memref<100000xf32, #tpu.memory_space<hbm>>
      %dma_start3A_89 = arith.constant 0 : i32
      %dma_start3A_90 = tpu.memref_slice %dma_start3A_88[%dma_start3A_89] : memref<100000xf32, #tpu.memory_space<hbm>> -> memref<100000xf32, #tpu.memory_space<hbm>>
      tpu.enqueue_indirect_dma source(%dma_start3A_90 : memref<100000xf32, #tpu.memory_space<hbm>>) target(%dma_start3A_82 : memref<128xf32, #tpu.memory_space<vmem>>) offsets(%dma_start3A_85 : memref<128xi32, #tpu.memory_space<vmem>>) semaphore(%arg7 : memref<!tpu.dma_semaphore, #tpu.memory_space<semaphore_mem>>)
      %mul3A_91 = arith.constant 16 : i32
      %mul3A_92 = arith.muli %scan3A_11, %mul3A_91 : i32
      %add3A_93 = arith.constant 5 : i32
      %add3A_94 = arith.addi %mul3A_92, %add3A_93 : i32
      %dma_start3A_95 = arith.constant 5 : i32
      %dma_start3A_96 = arith.constant 0 : i32
      %dma_start3A_97 = tpu.memref_slice %arg6[%add3A_94, %dma_start3A_96] : memref<416x128xf32, #tpu.memory_space<vmem>> -> memref<1x128xf32, #tpu.memory_space<vmem>>
      %dma_start3A_98 = tpu.memref_squeeze %dma_start3A_97 : memref<1x128xf32, #tpu.memory_space<vmem>> -> memref<128xf32, #tpu.memory_space<vmem>>
      %dma_start3A_99 = arith.constant 0 : i32
      %dma_start3A_100 = tpu.memref_slice %arg5[%scan3A_11, %dma_start3A_99] : memref<26x128xi32, #tpu.memory_space<vmem>> -> memref<1x128xi32, #tpu.memory_space<vmem>>
      %dma_start3A_101 = tpu.memref_squeeze %dma_start3A_100 : memref<1x128xi32, #tpu.memory_space<vmem>> -> memref<128xi32, #tpu.memory_space<vmem>>
      %dma_start3A_102 = arith.constant 0 : i32
      %dma_start3A_103 = tpu.memref_slice %arg3[%scan3A_11, %dma_start3A_95, %dma_start3A_102] : memref<26x16x100000xf32, #tpu.memory_space<hbm>> -> memref<1x1x100000xf32, #tpu.memory_space<hbm>>
      %dma_start3A_104 = tpu.memref_squeeze %dma_start3A_103 : memref<1x1x100000xf32, #tpu.memory_space<hbm>> -> memref<100000xf32, #tpu.memory_space<hbm>>
      %dma_start3A_105 = arith.constant 0 : i32
      %dma_start3A_106 = tpu.memref_slice %dma_start3A_104[%dma_start3A_105] : memref<100000xf32, #tpu.memory_space<hbm>> -> memref<100000xf32, #tpu.memory_space<hbm>>
      tpu.enqueue_indirect_dma source(%dma_start3A_106 : memref<100000xf32, #tpu.memory_space<hbm>>) target(%dma_start3A_98 : memref<128xf32, #tpu.memory_space<vmem>>) offsets(%dma_start3A_101 : memref<128xi32, #tpu.memory_space<vmem>>) semaphore(%arg7 : memref<!tpu.dma_semaphore, #tpu.memory_space<semaphore_mem>>)
      %mul3A_107 = arith.constant 16 : i32
      %mul3A_108 = arith.muli %scan3A_11, %mul3A_107 : i32
      %add3A_109 = arith.constant 6 : i32
      %add3A_110 = arith.addi %mul3A_108, %add3A_109 : i32
      %dma_start3A_111 = arith.constant 6 : i32
      %dma_start3A_112 = arith.constant 0 : i32
      %dma_start3A_113 = tpu.memref_slice %arg6[%add3A_110, %dma_start3A_112] : memref<416x128xf32, #tpu.memory_space<vmem>> -> memref<1x128xf32, #tpu.memory_space<vmem>>
      %dma_start3A_114 = tpu.memref_squeeze %dma_start3A_113 : memref<1x128xf32, #tpu.memory_space<vmem>> -> memref<128xf32, #tpu.memory_space<vmem>>
      %dma_start3A_115 = arith.constant 0 : i32
      %dma_start3A_116 = tpu.memref_slice %arg5[%scan3A_11, %dma_start3A_115] : memref<26x128xi32, #tpu.memory_space<vmem>> -> memref<1x128xi32, #tpu.memory_space<vmem>>
      %dma_start3A_117 = tpu.memref_squeeze %dma_start3A_116 : memref<1x128xi32, #tpu.memory_space<vmem>> -> memref<128xi32, #tpu.memory_space<vmem>>
      %dma_start3A_118 = arith.constant 0 : i32
      %dma_start3A_119 = tpu.memref_slice %arg3[%scan3A_11, %dma_start3A_111, %dma_start3A_118] : memref<26x16x100000xf32, #tpu.memory_space<hbm>> -> memref<1x1x100000xf32, #tpu.memory_space<hbm>>
      %dma_start3A_120 = tpu.memref_squeeze %dma_start3A_119 : memref<1x1x100000xf32, #tpu.memory_space<hbm>> -> memref<100000xf32, #tpu.memory_space<hbm>>
      %dma_start3A_121 = arith.constant 0 : i32
      %dma_start3A_122 = tpu.memref_slice %dma_start3A_120[%dma_start3A_121] : memref<100000xf32, #tpu.memory_space<hbm>> -> memref<100000xf32, #tpu.memory_space<hbm>>
      tpu.enqueue_indirect_dma source(%dma_start3A_122 : memref<100000xf32, #tpu.memory_space<hbm>>) target(%dma_start3A_114 : memref<128xf32, #tpu.memory_space<vmem>>) offsets(%dma_start3A_117 : memref<128xi32, #tpu.memory_space<vmem>>) semaphore(%arg7 : memref<!tpu.dma_semaphore, #tpu.memory_space<semaphore_mem>>)
      %mul3A_123 = arith.constant 16 : i32
      %mul3A_124 = arith.muli %scan3A_11, %mul3A_123 : i32
      %add3A_125 = arith.constant 7 : i32
      %add3A_126 = arith.addi %mul3A_124, %add3A_125 : i32
      %dma_start3A_127 = arith.constant 7 : i32
      %dma_start3A_128 = arith.constant 0 : i32
      %dma_start3A_129 = tpu.memref_slice %arg6[%add3A_126, %dma_start3A_128] : memref<416x128xf32, #tpu.memory_space<vmem>> -> memref<1x128xf32, #tpu.memory_space<vmem>>
      %dma_start3A_130 = tpu.memref_squeeze %dma_start3A_129 : memref<1x128xf32, #tpu.memory_space<vmem>> -> memref<128xf32, #tpu.memory_space<vmem>>
      %dma_start3A_131 = arith.constant 0 : i32
      %dma_start3A_132 = tpu.memref_slice %arg5[%scan3A_11, %dma_start3A_131] : memref<26x128xi32, #tpu.memory_space<vmem>> -> memref<1x128xi32, #tpu.memory_space<vmem>>
      %dma_start3A_133 = tpu.memref_squeeze %dma_start3A_132 : memref<1x128xi32, #tpu.memory_space<vmem>> -> memref<128xi32, #tpu.memory_space<vmem>>
      %dma_start3A_134 = arith.constant 0 : i32
      %dma_start3A_135 = tpu.memref_slice %arg3[%scan3A_11, %dma_start3A_127, %dma_start3A_134] : memref<26x16x100000xf32, #tpu.memory_space<hbm>> -> memref<1x1x100000xf32, #tpu.memory_space<hbm>>
      %dma_start3A_136 = tpu.memref_squeeze %dma_start3A_135 : memref<1x1x100000xf32, #tpu.memory_space<hbm>> -> memref<100000xf32, #tpu.memory_space<hbm>>
      %dma_start3A_137 = arith.constant 0 : i32
      %dma_start3A_138 = tpu.memref_slice %dma_start3A_136[%dma_start3A_137] : memref<100000xf32, #tpu.memory_space<hbm>> -> memref<100000xf32, #tpu.memory_space<hbm>>
      tpu.enqueue_indirect_dma source(%dma_start3A_138 : memref<100000xf32, #tpu.memory_space<hbm>>) target(%dma_start3A_130 : memref<128xf32, #tpu.memory_space<vmem>>) offsets(%dma_start3A_133 : memref<128xi32, #tpu.memory_space<vmem>>) semaphore(%arg7 : memref<!tpu.dma_semaphore, #tpu.memory_space<semaphore_mem>>)
      %mul3A_139 = arith.constant 16 : i32
      %mul3A_140 = arith.muli %scan3A_11, %mul3A_139 : i32
      %add3A_141 = arith.constant 8 : i32
      %add3A_142 = arith.addi %mul3A_140, %add3A_141 : i32
      %dma_start3A_143 = arith.constant 8 : i32
      %dma_start3A_144 = arith.constant 0 : i32
      %dma_start3A_145 = tpu.memref_slice %arg6[%add3A_142, %dma_start3A_144] : memref<416x128xf32, #tpu.memory_space<vmem>> -> memref<1x128xf32, #tpu.memory_space<vmem>>
      %dma_start3A_146 = tpu.memref_squeeze %dma_start3A_145 : memref<1x128xf32, #tpu.memory_space<vmem>> -> memref<128xf32, #tpu.memory_space<vmem>>
      %dma_start3A_147 = arith.constant 0 : i32
      %dma_start3A_148 = tpu.memref_slice %arg5[%scan3A_11, %dma_start3A_147] : memref<26x128xi32, #tpu.memory_space<vmem>> -> memref<1x128xi32, #tpu.memory_space<vmem>>
      %dma_start3A_149 = tpu.memref_squeeze %dma_start3A_148 : memref<1x128xi32, #tpu.memory_space<vmem>> -> memref<128xi32, #tpu.memory_space<vmem>>
      %dma_start3A_150 = arith.constant 0 : i32
      %dma_start3A_151 = tpu.memref_slice %arg3[%scan3A_11, %dma_start3A_143, %dma_start3A_150] : memref<26x16x100000xf32, #tpu.memory_space<hbm>> -> memref<1x1x100000xf32, #tpu.memory_space<hbm>>
      %dma_start3A_152 = tpu.memref_squeeze %dma_start3A_151 : memref<1x1x100000xf32, #tpu.memory_space<hbm>> -> memref<100000xf32, #tpu.memory_space<hbm>>
      %dma_start3A_153 = arith.constant 0 : i32
      %dma_start3A_154 = tpu.memref_slice %dma_start3A_152[%dma_start3A_153] : memref<100000xf32, #tpu.memory_space<hbm>> -> memref<100000xf32, #tpu.memory_space<hbm>>
      tpu.enqueue_indirect_dma source(%dma_start3A_154 : memref<100000xf32, #tpu.memory_space<hbm>>) target(%dma_start3A_146 : memref<128xf32, #tpu.memory_space<vmem>>) offsets(%dma_start3A_149 : memref<128xi32, #tpu.memory_space<vmem>>) semaphore(%arg7 : memref<!tpu.dma_semaphore, #tpu.memory_space<semaphore_mem>>)
      %mul3A_155 = arith.constant 16 : i32
      %mul3A_156 = arith.muli %scan3A_11, %mul3A_155 : i32
      %add3A_157 = arith.constant 9 : i32
      %add3A_158 = arith.addi %mul3A_156, %add3A_157 : i32
      %dma_start3A_159 = arith.constant 9 : i32
      %dma_start3A_160 = arith.constant 0 : i32
      %dma_start3A_161 = tpu.memref_slice %arg6[%add3A_158, %dma_start3A_160] : memref<416x128xf32, #tpu.memory_space<vmem>> -> memref<1x128xf32, #tpu.memory_space<vmem>>
      %dma_start3A_162 = tpu.memref_squeeze %dma_start3A_161 : memref<1x128xf32, #tpu.memory_space<vmem>> -> memref<128xf32, #tpu.memory_space<vmem>>
      %dma_start3A_163 = arith.constant 0 : i32
      %dma_start3A_164 = tpu.memref_slice %arg5[%scan3A_11, %dma_start3A_163] : memref<26x128xi32, #tpu.memory_space<vmem>> -> memref<1x128xi32, #tpu.memory_space<vmem>>
      %dma_start3A_165 = tpu.memref_squeeze %dma_start3A_164 : memref<1x128xi32, #tpu.memory_space<vmem>> -> memref<128xi32, #tpu.memory_space<vmem>>
      %dma_start3A_166 = arith.constant 0 : i32
      %dma_start3A_167 = tpu.memref_slice %arg3[%scan3A_11, %dma_start3A_159, %dma_start3A_166] : memref<26x16x100000xf32, #tpu.memory_space<hbm>> -> memref<1x1x100000xf32, #tpu.memory_space<hbm>>
      %dma_start3A_168 = tpu.memref_squeeze %dma_start3A_167 : memref<1x1x100000xf32, #tpu.memory_space<hbm>> -> memref<100000xf32, #tpu.memory_space<hbm>>
      %dma_start3A_169 = arith.constant 0 : i32
      %dma_start3A_170 = tpu.memref_slice %dma_start3A_168[%dma_start3A_169] : memref<100000xf32, #tpu.memory_space<hbm>> -> memref<100000xf32, #tpu.memory_space<hbm>>
      tpu.enqueue_indirect_dma source(%dma_start3A_170 : memref<100000xf32, #tpu.memory_space<hbm>>) target(%dma_start3A_162 : memref<128xf32, #tpu.memory_space<vmem>>) offsets(%dma_start3A_165 : memref<128xi32, #tpu.memory_space<vmem>>) semaphore(%arg7 : memref<!tpu.dma_semaphore, #tpu.memory_space<semaphore_mem>>)
      %mul3A_171 = arith.constant 16 : i32
      %mul3A_172 = arith.muli %scan3A_11, %mul3A_171 : i32
      %add3A_173 = arith.constant 10 : i32
      %add3A_174 = arith.addi %mul3A_172, %add3A_173 : i32
      %dma_start3A_175 = arith.constant 10 : i32
      %dma_start3A_176 = arith.constant 0 : i32
      %dma_start3A_177 = tpu.memref_slice %arg6[%add3A_174, %dma_start3A_176] : memref<416x128xf32, #tpu.memory_space<vmem>> -> memref<1x128xf32, #tpu.memory_space<vmem>>
      %dma_start3A_178 = tpu.memref_squeeze %dma_start3A_177 : memref<1x128xf32, #tpu.memory_space<vmem>> -> memref<128xf32, #tpu.memory_space<vmem>>
      %dma_start3A_179 = arith.constant 0 : i32
      %dma_start3A_180 = tpu.memref_slice %arg5[%scan3A_11, %dma_start3A_179] : memref<26x128xi32, #tpu.memory_space<vmem>> -> memref<1x128xi32, #tpu.memory_space<vmem>>
      %dma_start3A_181 = tpu.memref_squeeze %dma_start3A_180 : memref<1x128xi32, #tpu.memory_space<vmem>> -> memref<128xi32, #tpu.memory_space<vmem>>
      %dma_start3A_182 = arith.constant 0 : i32
      %dma_start3A_183 = tpu.memref_slice %arg3[%scan3A_11, %dma_start3A_175, %dma_start3A_182] : memref<26x16x100000xf32, #tpu.memory_space<hbm>> -> memref<1x1x100000xf32, #tpu.memory_space<hbm>>
      %dma_start3A_184 = tpu.memref_squeeze %dma_start3A_183 : memref<1x1x100000xf32, #tpu.memory_space<hbm>> -> memref<100000xf32, #tpu.memory_space<hbm>>
      %dma_start3A_185 = arith.constant 0 : i32
      %dma_start3A_186 = tpu.memref_slice %dma_start3A_184[%dma_start3A_185] : memref<100000xf32, #tpu.memory_space<hbm>> -> memref<100000xf32, #tpu.memory_space<hbm>>
      tpu.enqueue_indirect_dma source(%dma_start3A_186 : memref<100000xf32, #tpu.memory_space<hbm>>) target(%dma_start3A_178 : memref<128xf32, #tpu.memory_space<vmem>>) offsets(%dma_start3A_181 : memref<128xi32, #tpu.memory_space<vmem>>) semaphore(%arg7 : memref<!tpu.dma_semaphore, #tpu.memory_space<semaphore_mem>>)
      %mul3A_187 = arith.constant 16 : i32
      %mul3A_188 = arith.muli %scan3A_11, %mul3A_187 : i32
      %add3A_189 = arith.constant 11 : i32
      %add3A_190 = arith.addi %mul3A_188, %add3A_189 : i32
      %dma_start3A_191 = arith.constant 11 : i32
      %dma_start3A_192 = arith.constant 0 : i32
      %dma_start3A_193 = tpu.memref_slice %arg6[%add3A_190, %dma_start3A_192] : memref<416x128xf32, #tpu.memory_space<vmem>> -> memref<1x128xf32, #tpu.memory_space<vmem>>
      %dma_start3A_194 = tpu.memref_squeeze %dma_start3A_193 : memref<1x128xf32, #tpu.memory_space<vmem>> -> memref<128xf32, #tpu.memory_space<vmem>>
      %dma_start3A_195 = arith.constant 0 : i32
      %dma_start3A_196 = tpu.memref_slice %arg5[%scan3A_11, %dma_start3A_195] : memref<26x128xi32, #tpu.memory_space<vmem>> -> memref<1x128xi32, #tpu.memory_space<vmem>>
      %dma_start3A_197 = tpu.memref_squeeze %dma_start3A_196 : memref<1x128xi32, #tpu.memory_space<vmem>> -> memref<128xi32, #tpu.memory_space<vmem>>
      %dma_start3A_198 = arith.constant 0 : i32
      %dma_start3A_199 = tpu.memref_slice %arg3[%scan3A_11, %dma_start3A_191, %dma_start3A_198] : memref<26x16x100000xf32, #tpu.memory_space<hbm>> -> memref<1x1x100000xf32, #tpu.memory_space<hbm>>
      %dma_start3A_200 = tpu.memref_squeeze %dma_start3A_199 : memref<1x1x100000xf32, #tpu.memory_space<hbm>> -> memref<100000xf32, #tpu.memory_space<hbm>>
      %dma_start3A_201 = arith.constant 0 : i32
      %dma_start3A_202 = tpu.memref_slice %dma_start3A_200[%dma_start3A_201] : memref<100000xf32, #tpu.memory_space<hbm>> -> memref<100000xf32, #tpu.memory_space<hbm>>
      tpu.enqueue_indirect_dma source(%dma_start3A_202 : memref<100000xf32, #tpu.memory_space<hbm>>) target(%dma_start3A_194 : memref<128xf32, #tpu.memory_space<vmem>>) offsets(%dma_start3A_197 : memref<128xi32, #tpu.memory_space<vmem>>) semaphore(%arg7 : memref<!tpu.dma_semaphore, #tpu.memory_space<semaphore_mem>>)
      %mul3A_203 = arith.constant 16 : i32
      %mul3A_204 = arith.muli %scan3A_11, %mul3A_203 : i32
      %add3A_205 = arith.constant 12 : i32
      %add3A_206 = arith.addi %mul3A_204, %add3A_205 : i32
      %dma_start3A_207 = arith.constant 12 : i32
      %dma_start3A_208 = arith.constant 0 : i32
      %dma_start3A_209 = tpu.memref_slice %arg6[%add3A_206, %dma_start3A_208] : memref<416x128xf32, #tpu.memory_space<vmem>> -> memref<1x128xf32, #tpu.memory_space<vmem>>
      %dma_start3A_210 = tpu.memref_squeeze %dma_start3A_209 : memref<1x128xf32, #tpu.memory_space<vmem>> -> memref<128xf32, #tpu.memory_space<vmem>>
      %dma_start3A_211 = arith.constant 0 : i32
      %dma_start3A_212 = tpu.memref_slice %arg5[%scan3A_11, %dma_start3A_211] : memref<26x128xi32, #tpu.memory_space<vmem>> -> memref<1x128xi32, #tpu.memory_space<vmem>>
      %dma_start3A_213 = tpu.memref_squeeze %dma_start3A_212 : memref<1x128xi32, #tpu.memory_space<vmem>> -> memref<128xi32, #tpu.memory_space<vmem>>
      %dma_start3A_214 = arith.constant 0 : i32
      %dma_start3A_215 = tpu.memref_slice %arg3[%scan3A_11, %dma_start3A_207, %dma_start3A_214] : memref<26x16x100000xf32, #tpu.memory_space<hbm>> -> memref<1x1x100000xf32, #tpu.memory_space<hbm>>
      %dma_start3A_216 = tpu.memref_squeeze %dma_start3A_215 : memref<1x1x100000xf32, #tpu.memory_space<hbm>> -> memref<100000xf32, #tpu.memory_space<hbm>>
      %dma_start3A_217 = arith.constant 0 : i32
      %dma_start3A_218 = tpu.memref_slice %dma_start3A_216[%dma_start3A_217] : memref<100000xf32, #tpu.memory_space<hbm>> -> memref<100000xf32, #tpu.memory_space<hbm>>
      tpu.enqueue_indirect_dma source(%dma_start3A_218 : memref<100000xf32, #tpu.memory_space<hbm>>) target(%dma_start3A_210 : memref<128xf32, #tpu.memory_space<vmem>>) offsets(%dma_start3A_213 : memref<128xi32, #tpu.memory_space<vmem>>) semaphore(%arg7 : memref<!tpu.dma_semaphore, #tpu.memory_space<semaphore_mem>>)
      %mul3A_219 = arith.constant 16 : i32
      %mul3A_220 = arith.muli %scan3A_11, %mul3A_219 : i32
      %add3A_221 = arith.constant 13 : i32
      %add3A_222 = arith.addi %mul3A_220, %add3A_221 : i32
      %dma_start3A_223 = arith.constant 13 : i32
      %dma_start3A_224 = arith.constant 0 : i32
      %dma_start3A_225 = tpu.memref_slice %arg6[%add3A_222, %dma_start3A_224] : memref<416x128xf32, #tpu.memory_space<vmem>> -> memref<1x128xf32, #tpu.memory_space<vmem>>
      %dma_start3A_226 = tpu.memref_squeeze %dma_start3A_225 : memref<1x128xf32, #tpu.memory_space<vmem>> -> memref<128xf32, #tpu.memory_space<vmem>>
      %dma_start3A_227 = arith.constant 0 : i32
      %dma_start3A_228 = tpu.memref_slice %arg5[%scan3A_11, %dma_start3A_227] : memref<26x128xi32, #tpu.memory_space<vmem>> -> memref<1x128xi32, #tpu.memory_space<vmem>>
      %dma_start3A_229 = tpu.memref_squeeze %dma_start3A_228 : memref<1x128xi32, #tpu.memory_space<vmem>> -> memref<128xi32, #tpu.memory_space<vmem>>
      %dma_start3A_230 = arith.constant 0 : i32
      %dma_start3A_231 = tpu.memref_slice %arg3[%scan3A_11, %dma_start3A_223, %dma_start3A_230] : memref<26x16x100000xf32, #tpu.memory_space<hbm>> -> memref<1x1x100000xf32, #tpu.memory_space<hbm>>
      %dma_start3A_232 = tpu.memref_squeeze %dma_start3A_231 : memref<1x1x100000xf32, #tpu.memory_space<hbm>> -> memref<100000xf32, #tpu.memory_space<hbm>>
      %dma_start3A_233 = arith.constant 0 : i32
      %dma_start3A_234 = tpu.memref_slice %dma_start3A_232[%dma_start3A_233] : memref<100000xf32, #tpu.memory_space<hbm>> -> memref<100000xf32, #tpu.memory_space<hbm>>
      tpu.enqueue_indirect_dma source(%dma_start3A_234 : memref<100000xf32, #tpu.memory_space<hbm>>) target(%dma_start3A_226 : memref<128xf32, #tpu.memory_space<vmem>>) offsets(%dma_start3A_229 : memref<128xi32, #tpu.memory_space<vmem>>) semaphore(%arg7 : memref<!tpu.dma_semaphore, #tpu.memory_space<semaphore_mem>>)
      %mul3A_235 = arith.constant 16 : i32
      %mul3A_236 = arith.muli %scan3A_11, %mul3A_235 : i32
      %add3A_237 = arith.constant 14 : i32
      %add3A_238 = arith.addi %mul3A_236, %add3A_237 : i32
      %dma_start3A_239 = arith.constant 14 : i32
      %dma_start3A_240 = arith.constant 0 : i32
      %dma_start3A_241 = tpu.memref_slice %arg6[%add3A_238, %dma_start3A_240] : memref<416x128xf32, #tpu.memory_space<vmem>> -> memref<1x128xf32, #tpu.memory_space<vmem>>
      %dma_start3A_242 = tpu.memref_squeeze %dma_start3A_241 : memref<1x128xf32, #tpu.memory_space<vmem>> -> memref<128xf32, #tpu.memory_space<vmem>>
      %dma_start3A_243 = arith.constant 0 : i32
      %dma_start3A_244 = tpu.memref_slice %arg5[%scan3A_11, %dma_start3A_243] : memref<26x128xi32, #tpu.memory_space<vmem>> -> memref<1x128xi32, #tpu.memory_space<vmem>>
      %dma_start3A_245 = tpu.memref_squeeze %dma_start3A_244 : memref<1x128xi32, #tpu.memory_space<vmem>> -> memref<128xi32, #tpu.memory_space<vmem>>
      %dma_start3A_246 = arith.constant 0 : i32
      %dma_start3A_247 = tpu.memref_slice %arg3[%scan3A_11, %dma_start3A_239, %dma_start3A_246] : memref<26x16x100000xf32, #tpu.memory_space<hbm>> -> memref<1x1x100000xf32, #tpu.memory_space<hbm>>
      %dma_start3A_248 = tpu.memref_squeeze %dma_start3A_247 : memref<1x1x100000xf32, #tpu.memory_space<hbm>> -> memref<100000xf32, #tpu.memory_space<hbm>>
      %dma_start3A_249 = arith.constant 0 : i32
      %dma_start3A_250 = tpu.memref_slice %dma_start3A_248[%dma_start3A_249] : memref<100000xf32, #tpu.memory_space<hbm>> -> memref<100000xf32, #tpu.memory_space<hbm>>
      tpu.enqueue_indirect_dma source(%dma_start3A_250 : memref<100000xf32, #tpu.memory_space<hbm>>) target(%dma_start3A_242 : memref<128xf32, #tpu.memory_space<vmem>>) offsets(%dma_start3A_245 : memref<128xi32, #tpu.memory_space<vmem>>) semaphore(%arg7 : memref<!tpu.dma_semaphore, #tpu.memory_space<semaphore_mem>>)
      %mul3A_251 = arith.constant 16 : i32
      %mul3A_252 = arith.muli %scan3A_11, %mul3A_251 : i32
      %add3A_253 = arith.constant 15 : i32
      %add3A_254 = arith.addi %mul3A_252, %add3A_253 : i32
      %dma_start3A_255 = arith.constant 15 : i32
      %dma_start3A_256 = arith.constant 0 : i32
      %dma_start3A_257 = tpu.memref_slice %arg6[%add3A_254, %dma_start3A_256] : memref<416x128xf32, #tpu.memory_space<vmem>> -> memref<1x128xf32, #tpu.memory_space<vmem>>
      %dma_start3A_258 = tpu.memref_squeeze %dma_start3A_257 : memref<1x128xf32, #tpu.memory_space<vmem>> -> memref<128xf32, #tpu.memory_space<vmem>>
      %dma_start3A_259 = arith.constant 0 : i32
      %dma_start3A_260 = tpu.memref_slice %arg5[%scan3A_11, %dma_start3A_259] : memref<26x128xi32, #tpu.memory_space<vmem>> -> memref<1x128xi32, #tpu.memory_space<vmem>>
      %dma_start3A_261 = tpu.memref_squeeze %dma_start3A_260 : memref<1x128xi32, #tpu.memory_space<vmem>> -> memref<128xi32, #tpu.memory_space<vmem>>
      %dma_start3A_262 = arith.constant 0 : i32
      %dma_start3A_263 = tpu.memref_slice %arg3[%scan3A_11, %dma_start3A_255, %dma_start3A_262] : memref<26x16x100000xf32, #tpu.memory_space<hbm>> -> memref<1x1x100000xf32, #tpu.memory_space<hbm>>
      %dma_start3A_264 = tpu.memref_squeeze %dma_start3A_263 : memref<1x1x100000xf32, #tpu.memory_space<hbm>> -> memref<100000xf32, #tpu.memory_space<hbm>>
      %dma_start3A_265 = arith.constant 0 : i32
      %dma_start3A_266 = tpu.memref_slice %dma_start3A_264[%dma_start3A_265] : memref<100000xf32, #tpu.memory_space<hbm>> -> memref<100000xf32, #tpu.memory_space<hbm>>
      tpu.enqueue_indirect_dma source(%dma_start3A_266 : memref<100000xf32, #tpu.memory_space<hbm>>) target(%dma_start3A_258 : memref<128xf32, #tpu.memory_space<vmem>>) offsets(%dma_start3A_261 : memref<128xi32, #tpu.memory_space<vmem>>) semaphore(%arg7 : memref<!tpu.dma_semaphore, #tpu.memory_space<semaphore_mem>>)
    }
    %scan3A_7 = arith.constant 26 : i32
    %dma_wait3A = arith.constant 0 : i32
    %dma_wait3A_8 = tpu.memref_slice %arg4[%dma_wait3A, %mul3A_2] : memref<416x4096xf32, #tpu.memory_space<hbm>> -> memref<416x128xf32, #tpu.memory_space<hbm>>
    %dma_wait3A_9 = arith.constant 0 : i32
    %dma_wait3A_10 = tpu.memref_slice %arg4[%dma_wait3A_9, %mul3A_2] : memref<416x4096xf32, #tpu.memory_space<hbm>> -> memref<416x128xf32, #tpu.memory_space<hbm>>
    tpu.wait_dma2 semaphore(%arg7 : memref<!tpu.dma_semaphore, #tpu.memory_space<semaphore_mem>>) src(%dma_wait3A_10 : memref<416x128xf32, #tpu.memory_space<hbm>>) dst(%arg6 : memref<416x128xf32, #tpu.memory_space<vmem>>)
    "tpu.region"() ({
      %run_scoped3A = tpu.sem_alloc : memref<!tpu.dma_semaphore, #tpu.memory_space<semaphore_mem>>
      %dma_start3A = arith.constant 0 : i32
      %dma_start3A_11 = tpu.memref_slice %arg4[%dma_start3A, %mul3A_2] : memref<416x4096xf32, #tpu.memory_space<hbm>> -> memref<416x128xf32, #tpu.memory_space<hbm>>
      %dma_start3A_12 = arith.constant 0 : i32
      %dma_start3A_13 = tpu.memref_slice %arg4[%dma_start3A_12, %mul3A_2] : memref<416x4096xf32, #tpu.memory_space<hbm>> -> memref<416x128xf32, #tpu.memory_space<hbm>>
      tpu.enqueue_dma source(%arg6 : memref<416x128xf32, #tpu.memory_space<vmem>>) target(%dma_start3A_13 : memref<416x128xf32, #tpu.memory_space<hbm>>) target_semaphore(%run_scoped3A : memref<!tpu.dma_semaphore, #tpu.memory_space<semaphore_mem>>)
      %dma_wait3A_14 = arith.constant 0 : i32
      %dma_wait3A_15 = tpu.memref_slice %arg4[%dma_wait3A_14, %mul3A_2] : memref<416x4096xf32, #tpu.memory_space<hbm>> -> memref<416x128xf32, #tpu.memory_space<hbm>>
      %dma_wait3A_16 = arith.constant 0 : i32
      %dma_wait3A_17 = tpu.memref_slice %arg4[%dma_wait3A_16, %mul3A_2] : memref<416x4096xf32, #tpu.memory_space<hbm>> -> memref<416x128xf32, #tpu.memory_space<hbm>>
      tpu.wait_dma2 semaphore(%run_scoped3A : memref<!tpu.dma_semaphore, #tpu.memory_space<semaphore_mem>>) src(%arg6 : memref<416x128xf32, #tpu.memory_space<vmem>>) dst(%dma_wait3A_17 : memref<416x128xf32, #tpu.memory_space<hbm>>)
      tpu.yield
    }) : () -> ()
    return
  }
}

module attributes {stable_mosaic.version = 14 : i64} {
  func.func @_tc_body(%arg0: i32, %arg1: memref<416x512xf32, #tpu.memory_space<vmem>>, %arg2: memref<13x512xf32, #tpu.memory_space<vmem>>, %arg3: memref<64x512xf32, #tpu.memory_space<vmem>>, %arg4: memref<26x512xf32, #tpu.memory_space<vmem>>, %arg5: memref<256x416xf32, #tpu.memory_space<vmem>>, %arg6: memref<256x13xf32, #tpu.memory_space<vmem>>, %arg7: memref<256x64xf32, #tpu.memory_space<vmem>>, %arg8: memref<256x1xf32, #tpu.memory_space<vmem>>, %arg9: memref<128x256xf32, #tpu.memory_space<vmem>>, %arg10: memref<128x1xf32, #tpu.memory_space<vmem>>, %arg11: memref<1x128xf32, #tpu.memory_space<vmem>>, %arg12: memref<1x13xf32, #tpu.memory_space<vmem>>, %arg13: memref<1x64xf32, #tpu.memory_space<vmem>>, %arg14: memref<1x1xf32, #tpu.memory_space<vmem>>, %arg15: memref<1x512xf32, #tpu.memory_space<vmem>>) attributes {dimension_semantics = [#tpu.dimension_semantics<arbitrary>], iteration_bounds = array<i64: 8>, scalar_prefetch = 0 : i64, scratch_operands = 0 : i64, tpu.core_type = #tpu.core_type<tc>, window_params = [{transform_indices = @transform_0, window_bounds = array<i64: 416, 512>}, {transform_indices = @transform_1, window_bounds = array<i64: 13, 512>}, {transform_indices = @transform_2, window_bounds = array<i64: 64, 512>}, {transform_indices = @transform_3, window_bounds = array<i64: 26, 512>}, {pipeline_mode = #tpu.pipeline_mode<synchronous>, transform_indices = @transform_4, window_bounds = array<i64: 256, 416>}, {pipeline_mode = #tpu.pipeline_mode<synchronous>, transform_indices = @transform_5, window_bounds = array<i64: 256, 13>}, {pipeline_mode = #tpu.pipeline_mode<synchronous>, transform_indices = @transform_6, window_bounds = array<i64: 256, 64>}, {pipeline_mode = #tpu.pipeline_mode<synchronous>, transform_indices = @transform_7, window_bounds = array<i64: 256, 1>}, {pipeline_mode = #tpu.pipeline_mode<synchronous>, transform_indices = @transform_8, window_bounds = array<i64: 128, 256>}, {pipeline_mode = #tpu.pipeline_mode<synchronous>, transform_indices = @transform_9, window_bounds = array<i64: 128, 1>}, {pipeline_mode = #tpu.pipeline_mode<synchronous>, transform_indices = @transform_10, window_bounds = array<i64: 1, 128>}, {pipeline_mode = #tpu.pipeline_mode<synchronous>, transform_indices = @transform_11, window_bounds = array<i64: 1, 13>}, {pipeline_mode = #tpu.pipeline_mode<synchronous>, transform_indices = @transform_12, window_bounds = array<i64: 1, 64>}, {pipeline_mode = #tpu.pipeline_mode<synchronous>, transform_indices = @transform_13, window_bounds = array<i64: 1, 1>}, {transform_indices = @transform_14, window_bounds = array<i64: 1, 512>}]} {
    %get3A = arith.constant 0 : index
    %get3A_0 = arith.constant 0 : index
    %get3A_1 = vector.load %arg1[%get3A, %get3A_0] : memref<416x512xf32, #tpu.memory_space<vmem>>, vector<416x512xf32>
    %get3A_2 = arith.constant 0 : index
    %get3A_3 = arith.constant 0 : index
    %get3A_4 = vector.load %arg2[%get3A_2, %get3A_3] : memref<13x512xf32, #tpu.memory_space<vmem>>, vector<13x512xf32>
    %get3A_5 = arith.constant 0 : index
    %get3A_6 = arith.constant 0 : index
    %get3A_7 = vector.load %arg3[%get3A_5, %get3A_6] : memref<64x512xf32, #tpu.memory_space<vmem>>, vector<64x512xf32>
    %get3A_8 = arith.constant 0 : index
    %get3A_9 = arith.constant 0 : index
    %get3A_10 = vector.load %arg5[%get3A_8, %get3A_9] : memref<256x416xf32, #tpu.memory_space<vmem>>, vector<256x416xf32>
    %dot_general3A = arith.constant dense<0.000000e+00> : vector<256x512xf32>
    %dot_general3A_11 = tpu.matmul %get3A_10, %get3A_1, %dot_general3A {dimension_numbers = #tpu.dot_dimension_numbers<[1], [0], [0], [1], [0, 0, 1, 1], [], []>, transpose_lhs_hint = false} : vector<256x416xf32>, vector<416x512xf32>, vector<256x512xf32> -> vector<256x512xf32>
    %get3A_12 = arith.constant 0 : index
    %get3A_13 = arith.constant 0 : index
    %get3A_14 = vector.load %arg6[%get3A_12, %get3A_13] : memref<256x13xf32, #tpu.memory_space<vmem>>, vector<256x13xf32>
    %dot_general3A_15 = arith.constant dense<0.000000e+00> : vector<256x512xf32>
    %dot_general3A_16 = tpu.matmul %get3A_14, %get3A_4, %dot_general3A_15 {dimension_numbers = #tpu.dot_dimension_numbers<[1], [0], [0], [1], [0, 0, 1, 1], [], []>, transpose_lhs_hint = false} : vector<256x13xf32>, vector<13x512xf32>, vector<256x512xf32> -> vector<256x512xf32>
    %add3A = arith.addf %dot_general3A_11, %dot_general3A_16 : vector<256x512xf32>
    %get3A_17 = arith.constant 0 : index
    %get3A_18 = arith.constant 0 : index
    %get3A_19 = vector.load %arg7[%get3A_17, %get3A_18] : memref<256x64xf32, #tpu.memory_space<vmem>>, vector<256x64xf32>
    %dot_general3A_20 = arith.constant dense<0.000000e+00> : vector<256x512xf32>
    %dot_general3A_21 = tpu.matmul %get3A_19, %get3A_7, %dot_general3A_20 {dimension_numbers = #tpu.dot_dimension_numbers<[1], [0], [0], [1], [0, 0, 1, 1], [], []>, transpose_lhs_hint = false} : vector<256x64xf32>, vector<64x512xf32>, vector<256x512xf32> -> vector<256x512xf32>
    %add3A_22 = arith.addf %add3A, %dot_general3A_21 : vector<256x512xf32>
    %get3A_23 = arith.constant 0 : index
    %get3A_24 = arith.constant 0 : index
    %get3A_25 = vector.load %arg8[%get3A_23, %get3A_24] : memref<256x1xf32, #tpu.memory_space<vmem>>, vector<256x1xf32>
    %add3A_26 = vector.broadcast %get3A_25 : vector<256x1xf32> to vector<256x512xf32>
    %add3A_27 = arith.addf %add3A_22, %add3A_26 : vector<256x512xf32>
    %max3A = arith.constant 0.000000e+00 : f32
    %max3A_28 = vector.broadcast %max3A : f32 to vector<256x512xf32>
    %max3A_29 = arith.maximumf %add3A_27, %max3A_28 : vector<256x512xf32>
    %get3A_30 = arith.constant 0 : index
    %get3A_31 = arith.constant 0 : index
    %get3A_32 = vector.load %arg9[%get3A_30, %get3A_31] : memref<128x256xf32, #tpu.memory_space<vmem>>, vector<128x256xf32>
    %dot_general3A_33 = arith.constant dense<0.000000e+00> : vector<128x512xf32>
    %dot_general3A_34 = tpu.matmul %get3A_32, %max3A_29, %dot_general3A_33 {dimension_numbers = #tpu.dot_dimension_numbers<[1], [0], [0], [1], [0, 0, 1, 1], [], []>, transpose_lhs_hint = false} : vector<128x256xf32>, vector<256x512xf32>, vector<128x512xf32> -> vector<128x512xf32>
    %get3A_35 = arith.constant 0 : index
    %get3A_36 = arith.constant 0 : index
    %get3A_37 = vector.load %arg10[%get3A_35, %get3A_36] : memref<128x1xf32, #tpu.memory_space<vmem>>, vector<128x1xf32>
    %add3A_38 = vector.broadcast %get3A_37 : vector<128x1xf32> to vector<128x512xf32>
    %add3A_39 = arith.addf %dot_general3A_34, %add3A_38 : vector<128x512xf32>
    %max3A_40 = arith.constant 0.000000e+00 : f32
    %max3A_41 = vector.broadcast %max3A_40 : f32 to vector<128x512xf32>
    %max3A_42 = arith.maximumf %add3A_39, %max3A_41 : vector<128x512xf32>
    %get3A_43 = arith.constant 0 : index
    %get3A_44 = arith.constant 0 : index
    %get3A_45 = vector.load %arg11[%get3A_43, %get3A_44] : memref<1x128xf32, #tpu.memory_space<vmem>>, vector<1x128xf32>
    %dot_general3A_46 = arith.constant dense<0.000000e+00> : vector<1x512xf32>
    %dot_general3A_47 = tpu.matmul %get3A_45, %max3A_42, %dot_general3A_46 {dimension_numbers = #tpu.dot_dimension_numbers<[1], [0], [0], [1], [0, 0, 1, 1], [], []>, transpose_lhs_hint = false} : vector<1x128xf32>, vector<128x512xf32>, vector<1x512xf32> -> vector<1x512xf32>
    %get3A_48 = arith.constant 0 : index
    %get3A_49 = arith.constant 0 : index
    %get3A_50 = vector.load %arg12[%get3A_48, %get3A_49] : memref<1x13xf32, #tpu.memory_space<vmem>>, vector<1x13xf32>
    %dot_general3A_51 = arith.constant dense<0.000000e+00> : vector<1x512xf32>
    %dot_general3A_52 = tpu.matmul %get3A_50, %get3A_4, %dot_general3A_51 {dimension_numbers = #tpu.dot_dimension_numbers<[1], [0], [0], [1], [0, 0, 1, 1], [], []>, transpose_lhs_hint = false} : vector<1x13xf32>, vector<13x512xf32>, vector<1x512xf32> -> vector<1x512xf32>
    %get3A_53 = arith.constant 0 : index
    %get3A_54 = arith.constant 0 : index
    %get3A_55 = vector.load %arg13[%get3A_53, %get3A_54] : memref<1x64xf32, #tpu.memory_space<vmem>>, vector<1x64xf32>
    %dot_general3A_56 = arith.constant dense<0.000000e+00> : vector<1x512xf32>
    %dot_general3A_57 = tpu.matmul %get3A_55, %get3A_7, %dot_general3A_56 {dimension_numbers = #tpu.dot_dimension_numbers<[1], [0], [0], [1], [0, 0, 1, 1], [], []>, transpose_lhs_hint = false} : vector<1x64xf32>, vector<64x512xf32>, vector<1x512xf32> -> vector<1x512xf32>
    %add3A_58 = arith.addf %dot_general3A_52, %dot_general3A_57 : vector<1x512xf32>
    %iota3A = tpu.iota {dimensions = array<i32: 0>} : vector<16x416xi32>
    %iota3A_59 = tpu.iota {dimensions = array<i32: 1>} : vector<16x416xi32>
    %jit3A = arith.constant 16 : i32
    %eq3A = arith.constant 0 : i32
    %eq3A_60 = arith.cmpi eq, %jit3A, %eq3A : i32
    %jit3A_61 = arith.constant 1 : i32
    %select_n3A = arith.select %eq3A_60, %jit3A_61, %jit3A : i32
    %rem3A = vector.broadcast %select_n3A : i32 to vector<16x416xi32>
    %rem3A_62 = arith.remsi %iota3A_59, %rem3A : vector<16x416xi32>
    %ne3A = arith.constant 0 : i32
    %ne3A_63 = vector.broadcast %ne3A : i32 to vector<16x416xi32>
    %ne3A_64 = arith.cmpi ne, %rem3A_62, %ne3A_63 : vector<16x416xi32>
    %lt3A = arith.constant 0 : i32
    %lt3A_65 = vector.broadcast %lt3A : i32 to vector<16x416xi32>
    %lt3A_66 = arith.cmpi slt, %rem3A_62, %lt3A_65 : vector<16x416xi32>
    %lt3A_67 = arith.constant 0 : i32
    %lt3A_68 = arith.cmpi slt, %select_n3A, %lt3A_67 : i32
    %ne3A_69 = vector.broadcast %lt3A_68 : i1 to vector<16x416xi1>
    %ne3A_70 = vector.broadcast %ne3A_69 : vector<16x416xi1> to vector<16x416xi1>
    %ne3A_71 = arith.xori %lt3A_66, %ne3A_70 : vector<16x416xi1>
    %and3A = arith.andi %ne3A_71, %ne3A_64 : vector<16x416xi1>
    %add3A_72 = vector.broadcast %select_n3A : i32 to vector<16x416xi32>
    %add3A_73 = arith.addi %rem3A_62, %add3A_72 : vector<16x416xi32>
    %select_n3A_74 = arith.select %and3A, %add3A_73, %rem3A_62 : vector<16x416xi1>, vector<16x416xi32>
    %eq3A_75 = arith.cmpi eq, %select_n3A_74, %iota3A : vector<16x416xi32>
    %convert_element_type3A = arith.extui %eq3A_75 : vector<16x416xi1> to vector<16x416xi32>
    %convert_element_type3A_76 = arith.sitofp %convert_element_type3A : vector<16x416xi32> to vector<16x416xf32>
    %dot_general3A_77 = arith.constant dense<0.000000e+00> : vector<16x512xf32>
    %dot_general3A_78 = tpu.matmul %convert_element_type3A_76, %get3A_1, %dot_general3A_77 {dimension_numbers = #tpu.dot_dimension_numbers<[1], [0], [0], [1], [0, 0, 1, 1], [], []>, transpose_lhs_hint = false} : vector<16x416xf32>, vector<416x512xf32>, vector<16x512xf32> -> vector<16x512xf32>
    %mul3A = arith.mulf %get3A_1, %get3A_1 : vector<416x512xf32>
    %dot_general3A_79 = arith.constant dense<0.000000e+00> : vector<16x512xf32>
    %dot_general3A_80 = tpu.matmul %convert_element_type3A_76, %mul3A, %dot_general3A_79 {dimension_numbers = #tpu.dot_dimension_numbers<[1], [0], [0], [1], [0, 0, 1, 1], [], []>, transpose_lhs_hint = false} : vector<16x416xf32>, vector<416x512xf32>, vector<16x512xf32> -> vector<16x512xf32>
    %mul3A_81 = arith.mulf %dot_general3A_78, %dot_general3A_78 : vector<16x512xf32>
    %sub3A = arith.subf %mul3A_81, %dot_general3A_80 : vector<16x512xf32>
    %reduce_sum3A = arith.constant dense<0.000000e+00> : vector<512xf32>
    %reduce_sum3A_82 = vector.multi_reduction <add>, %sub3A, %reduce_sum3A [0] : vector<16x512xf32> to vector<512xf32>
    %broadcast_in_dim3A = vector.shape_cast %reduce_sum3A_82 : vector<512xf32> to vector<1x512xf32>
    %mul3A_83 = arith.constant 5.000000e-01 : f32
    %mul3A_84 = vector.broadcast %mul3A_83 : f32 to vector<1x512xf32>
    %mul3A_85 = arith.mulf %mul3A_84, %broadcast_in_dim3A : vector<1x512xf32>
    %get3A_86 = arith.constant 0 : index
    %get3A_87 = arith.constant 0 : index
    %get3A_88 = vector.load %arg4[%get3A_86, %get3A_87] : memref<26x512xf32, #tpu.memory_space<vmem>>, vector<26x512xf32>
    %reduce_sum3A_89 = arith.constant dense<0.000000e+00> : vector<512xf32>
    %reduce_sum3A_90 = vector.multi_reduction <add>, %get3A_88, %reduce_sum3A_89 [0] : vector<26x512xf32> to vector<512xf32>
    %broadcast_in_dim3A_91 = vector.shape_cast %reduce_sum3A_90 : vector<512xf32> to vector<1x512xf32>
    %add3A_92 = arith.addf %dot_general3A_47, %add3A_58 : vector<1x512xf32>
    %add3A_93 = arith.addf %add3A_92, %mul3A_85 : vector<1x512xf32>
    %add3A_94 = arith.addf %add3A_93, %broadcast_in_dim3A_91 : vector<1x512xf32>
    %get3A_95 = arith.constant 0 : index
    %get3A_96 = arith.constant 0 : index
    %get3A_97 = vector.load %arg14[%get3A_95, %get3A_96] : memref<1x1xf32, #tpu.memory_space<vmem>>, vector<1x1xf32>
    %add3A_98 = vector.broadcast %get3A_97 : vector<1x1xf32> to vector<1x512xf32>
    %add3A_99 = arith.addf %add3A_94, %add3A_98 : vector<1x512xf32>
    %swap3A = arith.constant 0 : index
    %swap3A_100 = arith.constant 0 : index
    %swap3A_101 = vector.load %arg15[%swap3A, %swap3A_100] : memref<1x512xf32, #tpu.memory_space<vmem>>, vector<1x512xf32>
    tpu.vector_store %arg15[%swap3A, %swap3A_100], %add3A_99 {strides = array<i32>} : memref<1x512xf32, #tpu.memory_space<vmem>>, vector<1x512xf32>,
    return
  }
  func.func @transform_0(%arg0: i32) -> (i32, i32) {
    %c0_i32 = arith.constant 0 : i32
    %c0_i32_0 = arith.constant 0 : i32
    return %c0_i32, %arg0 : i32, i32
  }
  func.func @transform_1(%arg0: i32) -> (i32, i32) {
    %c0_i32 = arith.constant 0 : i32
    %c0_i32_0 = arith.constant 0 : i32
    return %c0_i32, %arg0 : i32, i32
  }
  func.func @transform_2(%arg0: i32) -> (i32, i32) {
    %c0_i32 = arith.constant 0 : i32
    %c0_i32_0 = arith.constant 0 : i32
    return %c0_i32, %arg0 : i32, i32
  }
  func.func @transform_3(%arg0: i32) -> (i32, i32) {
    %c0_i32 = arith.constant 0 : i32
    %c0_i32_0 = arith.constant 0 : i32
    return %c0_i32, %arg0 : i32, i32
  }
  func.func @transform_4(%arg0: i32) -> (i32, i32) {
    %c0_i32 = arith.constant 0 : i32
    %c0_i32_0 = arith.constant 0 : i32
    %c0_i32_1 = arith.constant 0 : i32
    return %c0_i32, %c0_i32_0 : i32, i32
  }
  func.func @transform_5(%arg0: i32) -> (i32, i32) {
    %c0_i32 = arith.constant 0 : i32
    %c0_i32_0 = arith.constant 0 : i32
    %c0_i32_1 = arith.constant 0 : i32
    return %c0_i32, %c0_i32_0 : i32, i32
  }
  func.func @transform_6(%arg0: i32) -> (i32, i32) {
    %c0_i32 = arith.constant 0 : i32
    %c0_i32_0 = arith.constant 0 : i32
    %c0_i32_1 = arith.constant 0 : i32
    return %c0_i32, %c0_i32_0 : i32, i32
  }
  func.func @transform_7(%arg0: i32) -> (i32, i32) {
    %c0_i32 = arith.constant 0 : i32
    %c0_i32_0 = arith.constant 0 : i32
    %c0_i32_1 = arith.constant 0 : i32
    return %c0_i32, %c0_i32_0 : i32, i32
  }
  func.func @transform_8(%arg0: i32) -> (i32, i32) {
    %c0_i32 = arith.constant 0 : i32
    %c0_i32_0 = arith.constant 0 : i32
    %c0_i32_1 = arith.constant 0 : i32
    return %c0_i32, %c0_i32_0 : i32, i32
  }
  func.func @transform_9(%arg0: i32) -> (i32, i32) {
    %c0_i32 = arith.constant 0 : i32
    %c0_i32_0 = arith.constant 0 : i32
    %c0_i32_1 = arith.constant 0 : i32
    return %c0_i32, %c0_i32_0 : i32, i32
  }
  func.func @transform_10(%arg0: i32) -> (i32, i32) {
    %c0_i32 = arith.constant 0 : i32
    %c0_i32_0 = arith.constant 0 : i32
    %c0_i32_1 = arith.constant 0 : i32
    return %c0_i32, %c0_i32_0 : i32, i32
  }
  func.func @transform_11(%arg0: i32) -> (i32, i32) {
    %c0_i32 = arith.constant 0 : i32
    %c0_i32_0 = arith.constant 0 : i32
    %c0_i32_1 = arith.constant 0 : i32
    return %c0_i32, %c0_i32_0 : i32, i32
  }
  func.func @transform_12(%arg0: i32) -> (i32, i32) {
    %c0_i32 = arith.constant 0 : i32
    %c0_i32_0 = arith.constant 0 : i32
    %c0_i32_1 = arith.constant 0 : i32
    return %c0_i32, %c0_i32_0 : i32, i32
  }
  func.func @transform_13(%arg0: i32) -> (i32, i32) {
    %c0_i32 = arith.constant 0 : i32
    %c0_i32_0 = arith.constant 0 : i32
    %c0_i32_1 = arith.constant 0 : i32
    return %c0_i32, %c0_i32_0 : i32, i32
  }
  func.func @transform_14(%arg0: i32) -> (i32, i32) {
    %c0_i32 = arith.constant 0 : i32
    %c0_i32_0 = arith.constant 0 : i32
    return %c0_i32, %arg0 : i32, i32
  }
}

</mosaic_0001>

<sc_bundles>
// kernel: kernel.5.cloned.1.call-start
scs
__scs_entry_jumppad:
0x0: {  	(pc) =	sbr.rel $0x88, $3  }
0x1: {  	(tag) =	ssettag $0x0;
	lr =	simm.s32 $0x1  }
0x2: {  	[smem:$0x3F95] =	sst lr;
	_ =	strace $0xD0000000  }
0x3: {  	_ = 	snop  }
0x4: {  	_ = 	snop  }
0x5: {  	_ = 	snop  }
0x6: {  	_ = 	snop  }
0x7: {  	_ = 	snop  }
__scs_overlays_trampoline_lowered:
0x8: {  	[smem:$0x3FA4] =	sst s0  }
0x9: {  	[smem:$0x3FA5] =	sst s1  }
0xa: {  	[smem:$0x3FA6] =	sst s2  }
0xb: {  	[smem:$0x3FA7] =	sst s3  }
0xc: {  	[smem:$0x3FA8] =	sst s4  }
0xd: {  	[smem:$0x3FA9] =	sst s5  }
0xe: {  	[smem:$0x3FAA] =	sst s6  }
0xf: {  	[smem:$0x3FAB] =	sst s7  }
0x10: {  	[smem:$0x3FAC] =	sst s8  }
0x11: {  	[smem:$0x3FAD] =	sst s9;
	s0 =	simm.s32 @!p0 $0x0  }
0x12: {  	s1 =	sld [smem:$0x3F93];
	s0 =	simm.s32 @p0 $0x1  }
0x13: {  	[smem:$0x3FAE] =	sst s0;
	s0 =	simm.s32 @!p1 $0x0  }
0x14: {  	s2 =	sld [smem:$0x3F92];
	s0 =	simm.s32 @p1 $0x1  }
0x15: {  	[smem:$0x3FAF] =	sst s0;
	s0 =	simm.s32 @!p2 $0x0  }
0x16: {  	s3 =	sld [smem:$0x3FDB];
	s0 =	simm.s32 @p2 $0x1  }
0x17: {  	s4 =	simm.s32 $0x1BF5;
	[smem:$0x3FB1] =	sst s0  }
0x18: {  	s0 =	sld [smem:$0x3F94];
	_ =	swait.ge [sflag:s4], $0x0  }
0x19: {  	s7 =	sld [smem:$0x3F95]  }
0x1a: {  	s8 =	sadd.s32 $0xFFFFE003, lr  }
0x1b: {  	s9 =	sadd.s32 $0xFFFFFEF7, lr;
	s5 =	simm.s32 $0xFFFFFFFF;
	p2 =	slt.u32 s8, $0xFFFFF086  }
0x1c: {  	p1 =	slt.u32 s9, $0xF7A;
	s5 =	simm.s32 @!p2 $0x0  }
0x1d: {  	s5 =	simm.s32 @p1 $0x1;
	p0 =	seq.s32 s7, s2  }
0x1e: {  	s7 =	smul.u32 @!p0 $0xF7A, s2;
	p2 =	seq.s32 @!p0 s5, $0x0  }
0x1f: {  	s9 =	smul.u32 $0xF7A, s1;
	s8 =	simm.s32 @!p0 $0x1BF5;
	p2 =	por !p2, p0  }
0x20: {  	[sflag:s8] =	ssyncset.s32 @!p0 $0xFFFFF086;
	s6 =	sadd.s32 @!p0 s3, s7;
	s7 =	simm.s32 @!p0 $0x108  }
0x21: {  	s3 =	sadd.s32 s3, s9;
	s6 =	sadd.s32 @!p0 $0x88, s6;
	s7 =	simm.s32 @p2 $0x1082  }
0x22: {  	[simem:s7], [sflag:s8] =	dma.local @!p0 [hbm:s6], $0xF7A  }
0x23: {  	s9 =	sor.u32 $0xD0000000, s2;
	s6 =	simm.s32 $0x108;
	_ =	swait.ge @!p0 [sflag:s8], $0x0  }
0x24: {  	s3 =	sadd.s32 $0x88, s3;
	s6 =	simm.s32 @!p1 $0x1082;
	[sflag:s4] =	ssyncset.s32 $0xFFFFF086  }
0x25: {  	[simem:s6], [sflag:s4] =	dma.local [hbm:s3], $0xF7A  }
0x26: {  	[smem:$0x3F95] =	sst s1;
	(tag) =	ssettag s2;
	_ =	strace s9  }
0x27: {  	s1 =	sld [smem:$0x3FA5]  }
0x28: {  	s2 =	sld [smem:$0x3FA6]  }
0x29: {  	s4 =	sld [smem:$0x3FA8]  }
0x2a: {  	p0 =	seq.s32 s5, $0x0;
	s5 =	sld [smem:$0x3FA9]  }
0x2b: {  	s6 =	sld [smem:$0x3FAA]  }
0x2c: {  	s7 =	sld [smem:$0x3FAB]  }
0x2d: {  	s3 =	simm.s32 $0x108;
	s8 =	sld [smem:$0x3FAC]  }
0x2e: {  	s3 =	simm.s32 @!p0 $0x1082;
	s9 =	sld [smem:$0x3FAD]  }
0x2f: {  	lr =	sadd.s32 s0, s3;
	s0 =	sld [smem:$0x3FA4]  }
0x30: {  	s3 =	sld [smem:$0x3FA7]  }
0x31: {  	[smem:$0x3FB0] =	sst s10  }
0x32: {  	s10 =	sld [smem:$0x3FAE];
	_ =	sdelay $0x3  }
0x33: {  	p0 =	seq.s32 s10, $0x1;
	s10 =	sld [smem:$0x3FB0];
	_ =	sdelay $0x3  }
0x34: {  	[smem:$0x3FB0] =	sst s10  }
0x35: {  	s10 =	sld [smem:$0x3FAF];
	_ =	sdelay $0x3  }
0x36: {  	p1 =	seq.s32 s10, $0x1;
	s10 =	sld [smem:$0x3FB0];
	_ =	sdelay $0x3  }
0x37: {  	[smem:$0x3FB0] =	sst s10  }
0x38: {  	s10 =	sld [smem:$0x3FB1]  }
0x39: {  	_ = 	snop;
	(pc) =	sbr.ind lr, $3  }
0x3a: {  	_ = 	snop  }
0x3b: {  	_ = 	snop  }
0x3c: {  	p2 =	seq.s32 s10, $0x1;
	s10 =	sld [smem:$0x3FB0]  }
0x3d: {  	_ =	shalt  }
0x3e: {  	_ =	shalt  }
0x3f: {  	_ =	shalt  }
0x40: {  	_ =	shalt  }
0x41: {  	_ =	shalt  }
0x42: {  	_ =	shalt  }
0x43: {  	_ =	shalt  }
0x44: {  	_ =	shalt  }
0x45: {  	_ =	shalt  }
0x46: {  	_ =	shalt  }
0x47: {  	_ =	shalt  }
0x48: {  	_ =	shalt  }
0x49: {  	_ =	shalt  }
0x4a: {  	_ =	shalt  }
0x4b: {  	_ =	shalt  }
0x4c: {  	_ =	shalt  }
0x4d: {  	_ =	shalt  }
0x4e: {  	_ =	shalt  }
0x4f: {  	_ =	shalt  }
0x50: {  	_ =	shalt  }
0x51: {  	_ =	shalt  }
0x52: {  	_ =	shalt  }
0x53: {  	_ =	shalt  }
0x54: {  	_ =	shalt  }
0x55: {  	_ =	shalt  }
0x56: {  	_ =	shalt  }
0x57: {  	_ =	shalt  }
0x58: {  	_ =	shalt  }
0x59: {  	_ =	shalt  }
0x5a: {  	_ =	shalt  }
0x5b: {  	_ =	shalt  }
0x5c: {  	_ =	shalt  }
0x5d: {  	_ =	shalt  }
0x5e: {  	_ =	shalt  }
0x5f: {  	_ =	shalt  }
0x60: {  	_ =	shalt  }
0x61: {  	_ =	shalt  }
0x62: {  	_ =	shalt  }
0x63: {  	_ =	shalt  }
0x64: {  	_ =	shalt  }
0x65: {  	_ =	shalt  }
0x66: {  	_ =	shalt  }
0x67: {  	_ =	shalt  }
0x68: {  	_ =	shalt  }
0x69: {  	_ =	shalt  }
0x6a: {  	_ =	shalt  }
0x6b: {  	_ =	shalt  }
0x6c: {  	_ =	shalt  }
0x6d: {  	_ =	shalt  }
0x6e: {  	_ =	shalt  }
0x6f: {  	_ =	shalt  }
0x70: {  	_ =	shalt  }
0x71: {  	_ =	shalt  }
0x72: {  	_ =	shalt  }
0x73: {  	_ =	shalt  }
0x74: {  	_ =	shalt  }
0x75: {  	_ =	shalt  }
0x76: {  	_ =	shalt  }
0x77: {  	_ =	shalt  }
0x78: {  	_ =	shalt  }
0x79: {  	_ =	shalt  }
0x7a: {  	_ =	shalt  }
0x7b: {  	_ =	shalt  }
0x7c: {  	_ =	shalt  }
0x7d: {  	_ =	shalt  }
0x7e: {  	_ =	shalt  }
0x7f: {  	_ =	shalt  }
0x80: {  	_ =	shalt  }
0x81: {  	_ =	shalt  }
0x82: {  	_ =	shalt  }
0x83: {  	_ =	shalt  }
0x84: {  	_ =	shalt  }
0x85: {  	_ =	shalt  }
0x86: {  	_ =	shalt  }
0x87: {  	_ =	shalt  }
.Lfunc_end0:
.L_simem_size_0:
called_computation_lowered:
.L_overlay_start_0:
0x88: {  	s2 =	sld [smem:$0x3FD9]  }
0x89: {  	s3 =	sld [smem:$0x3FFE];
	_ =	sdelay $0x1  }
0x8a: {  	s1 =	srdreg.scid  }
0x8b: {  	s0 =	sand.u32 $0x1, s1  }
0x8c: {  	s17 =	sshll.u32 s0, $0xA;
	s2 =	sadd.s32 s3, s2  }
0x8d: {  	s2 =	sadd.s32 s2, s17  }
0x8e: {  	[smem:$0x3FBC] =	sst s2  }
0x8f: {  	_ = 	snop  }
0x90: {  	(tm) =	ssettm $0x1  }
0x91: {  	s18 =	sld [smem:$0x3FFB];
	_ =	sdelay $0x3  }
0x92: {  	_ =	strace s18  }
0x93: {  	s2 =	sld [smem:$0x3FFC];
	_ =	sdelay $0x3  }
0x94: {  	_ =	strace s2  }
0x95: {  	s2 =	sld [smem:$0x3FFD];
	_ =	sdelay $0x3  }
0x96: {  	_ =	strace s2  }
0x97: {  	_ =	strace $0x8FFFFFFF  }
0x98: {  	s19 =	sld [smem:$0x3FDB];
	_ =	sdelay $0x1  }
0x99: {  	s20 =	simm.s32 $_scs_section_size  }
0x9a: {  	s4 =	simm.s32 $_size__tile_overlayer_lowered;
	s5 =	simm.s32 $_tile_overlayer_lowered  }
0x9b: {  	s6 =	simm.s32 $0x1BFF;
	s21 =	sshll.u32 s5, $0x1;
	s3 =	sadd.s32 s20, s19  }
0x9c: {  	s22 =	simm.s32 $0x0;
	s4 =	sshll.u32 s4, $0x1;
	s5 =	sadd.s32 s21, s3  }
0x9d: {  	[timem:s22], [sflag:s6] =	dma.local [hbm:s5], s4  }
0x9e: {  	_ =	swait.ge [sflag:s6], s4  }
0x9f: {  	s4 =	ssub.s32 $0x0, s4;
	[sflag:s6] =	ssyncset.done $0x0  }
0xa0: {  	[sflag:s6] =	ssyncadd.s32 s4;
	_ =	sdelay $0x1  }
0xa1: {  	s23 =	simm.s32 $0x1B8B  }
0xa2: {  	_ =	swait.ge [sflag:s23], $0x1  }
0xa3: {  	[sflag:s23] =	ssyncset.done $0x0  }
0xa4: {  	[sflag:s23] =	ssyncadd.s32 $0xFFFFFFFF  }
0xa5: {  	s4 =	sld [smem:$0x0]  }
0xa6: {  	s5 =	sand.u32 $0xFFFFFFFE, s1  }
0xa7: {  	p0 =	sne.s32 s1, s5  }
0xa8: {  	s5 =	sshll.u32 @p0 s5, $0xE  }
0xa9: {  	s5 =	sadd.s32 @p0 $0x11B8D, s5;
	s6 =	sshll.u32 @p0 s4, $0x11  }
0xaa: {  	s5 =	sor.u32 @p0 s6, s5  }
0xab: {  	[sflag:s5] =	ssyncadd.remote.s32 @p0 $0x1;
	_ =	sdelay $0x1  }
0xac: {  	s5 =	simm.s32 @p0 $0x1B8D  }
0xad: {  	_ =	swait.eq @p0 [sflag:s5], $0x1  }
0xae: {  	[sflag:s5] =	ssyncadd.s32 @p0 $0xFFFFFFFF  }
0xaf: {  	s6 =	sshll.u32 @!p0 s1, $0xE  }
0xb0: {  	s6 =	sor.u32 @!p0 $0x4000, s6;
	s5 =	simm.s32 @!p0 $0x1B8D  }
0xb1: {  	s4 =	sshll.u32 @!p0 s4, $0x11;
	s6 =	sadd.s32 @!p0 $0x11B8D, s6;
	_ =	swait.eq @!p0 [sflag:s5], $0x1  }
0xb2: {  	s4 =	sor.u32 @!p0 s4, s6;
	[sflag:s5] =	ssyncadd.s32 @!p0 $0xFFFFFFFF  }
0xb3: {  	s25 =	simm.s32 $0x1B8E;
	s24 =	sld [smem:$0x3FFE];
	[sflag:s4] =	ssyncadd.remote.s32 @!p0 $0x1  }
0xb4: {  	s26 =	simm.s32 $execute0_lowered;
	[smem:$0x3FD2] =	sst s25  }
0xb5: {  	s5 =	sshll.u32 s26, $0x1;
	_ =	strace $0x80000049;
	[dreg:$0x1] =	wrdreg $0xFFFFFFFF  }
0xb6: {  	s28 =	simm.s32 $_size_execute0_lowered;
	s3 =	sadd.s32 s3, s5;
	[dreg:$0x0] =	wrdreg $0x0  }
0xb7: {  	s5 =	sshll.u32 s28, $0x1;
	[dreg:$0x2] =	wrdreg s3  }
0xb8: {  	[dreg:$0x3] =	wrdreg s5  }
0xb9: {  	[dreg:$0x4] =	wrdreg $0xC0  }
0xba: {  	_ =	task [dreg:s22], $0x5FFFF  }
0xbb: {  	[dreg:$0x1] =	wrdreg $0xFFFFFFFF  }
0xbc: {  	[dreg:$0x0] =	wrdreg $0x60  }
0xbd: {  	[dreg:$0x2] =	wrdreg s24  }
0xbe: {  	[dreg:$0x3] =	wrdreg $0x9  }
0xbf: {  	_ =	task.clear_ibuf [dreg:s22], $0x4FFFF;
	_ =	strace $0x90000049  }
0xc0: {  	s29 =	simm.s32 $0x9;
	_ =	strace $0x8000004B  }
0xc1: {  	_ =	swait.ge [sflag:s29], $0x1  }
0xc2: {  	[sflag:s29] =	ssyncadd.s32 $0xFFFFFFFF  }
0xc3: {  	_ =	strace $0x9000004B  }
0xc4: {  	_ =	sfence  }
0xc5: {  	s30 =	sld [smem:$0x0];
	_ =	sdelay $0x2  }
0xc6: {  	s31 =	sshll.u32 s1, $0xD;
	s1 =	sshrl.u32 s1, $0x2  }
0xc7: {  	s4 =	sand.u32 $0x4000, s31;
	s1 =	sadd.s32 s1, s30  }
0xc8: {  	s0 =	sor.u32 s4, s0;
	s1 =	sshll.u32 s1, $0x11  }
0xc9: {  	s0 =	sor.u32 s1, s0  }
0xca: {  	s0 =	sadd.s32 $0x8F2B, s0  }
0xcb: {  	[sflag:s0] =	ssyncadd.remote.s32 $0x1  }
0xcc: {  	_ =	sfence.sel $0xFFFF  }
0xcd: {  	[dreg:$0x0] =	wrdreg $0xFFFFFFFF;
	(pc) =	sbr.abs _section_cstart, $3  }
0xce: {  	[dreg:$0x1] =	wrdreg $0xFFFFFFFF  }
0xcf: {  	_ =	task.clear_ibuf [dreg:s22], $0x2FFFF;
	_ =	strace $0x9FFFFFFF  }
0xd0: {  	(tm) =	ssettm $0x7FFFFFFF  }
0xd1: {  	_ =	shalt  }
tec
execute0_lowered:
.L_overlay_start_1:
0x0: {  	(tag) =	ssettag $0x1  }
0x1: {  	s4 =	rddreg [dreg:$0x0]  }
0x2: {  	s0 =	rddreg [dreg:$0x1];
	s2 =	simm.s32 $0x0;
	s3 =	srdreg.scid  }
0x3: {  	s1 =	stileid.u32;
	s8 =	simm.s32 $0x1000;
	s9 =	simm.s32 $0x2  }
0x4: {  	s10 =	simm.s32 $0x1;
	s11 =	simm.s32 $0xD00;
	s12 =	simm.s32 $0x0  }
0x5: {  	[smem:$0x7FF] =	sst s2;
	s3 =	sand.u32 $0x1, s3;
	s5 =	sshll.u32 s1, $0x5  }
0x6: {  	s6 =	sshll.u32 s3, $0x4;
	s7 =	ssub.s32 $0x2, s3;
	_ =	strace $0x8000004A  }
0x7: {  	s3 =	sadd.s32 $0x52EE00, s4;
	s5 =	sor.u32 s6, s5;
	s31 =	sshrl.u32 s7, $0x1  }
0x8: {  	s5 =	sadd.s32 s5, s4;
	s6 =	ssub.s32 s7, s31;
	s7 =	simm.s32 $0x80  }
0x9: {  	s4 =	sadd.s32 $0x2000, s5;
	s5 =	sadd.s32 $0x57E400, s5;
	s6 =	smax.u32 s6, $0x1  }
.LBB2_1:
0xa: {  	[tilespmem:s2], [sflag:$0x2] =	stream.strided.gather [hbm4b:s4+s7], $0xD00, s8, s7, $0x38;
	[tilespmem:$0x1A00] =	vst v63  }
0xb: {  	_ =	swait.ge [sflag:s9], $0xD00  }
0xc: {  	[sflag:s9] =	ssyncset.done $0x0  }
0xd: {  	s13 =	simm.s32 $0x0;
	s14 =	simm.s32 $0xD00;
	[sflag:s9] =	ssyncadd.s32 $0xFFFFF300  }
0xe: {  	[tilespmem:s14], [sflag:$0x1] =	stream.indirect.gather [hbm4b:s3+s7], $0x1, s13, s7, $0xb8;
	[tilespmem:$0x1A00] =	vst v63  }
0xf: {  	s13 =	simm.s32 $0x200;
	s14 =	smov.u32 s3  }
.LBB2_2:
0x10: {  	p0 =	sne.s32 s13, $0x3200  }
.Ltmp0:
0x11: {  	_ = 	snop;
	(pc) =	sbr.rel @p0 .LBB2_2-.Ltmp0, $4  }
0x12: {  	_ = 	snop  }
0x13: {  	s15 =	sshra.s32 s13, $0x2;
	s13 =	sadd.s32 $0x200, s13  }
0x14: {  	s14 =	sadd.s32 $0x30D4, s14;
	s16 =	sadd.s32 $0xD00, s15  }
0x15: {  	[tilespmem:s16], [sflag:$0x1] =	stream.indirect.gather [hbm4b:s14+s7], $0x1, s15, s7, $0xb8;
	[tilespmem:$0x1A00] =	vst v63  }
0x16: {  	_ =	swait.ge [sflag:s10], $0xD00;
	s12 =	sadd.s32 $0x1, s12  }
0x17: {  	[sflag:s10] =	ssyncset.done $0x0;
	p0 =	sne.s32 s12, s6  }
.Ltmp1:
0x18: {  	[sflag:s10] =	ssyncadd.s32 $0xFFFFF300;
	(pc) =	sbr.rel @p0 .LBB2_1-.Ltmp1, $4  }
0x19: {  	[hbm4b:s5+s7] =	stream.strided.scatter [tilespmem:s11], [sflag:$0x2], $0xD00, s8, s7, $0x38;
	[tilespmem:$0x1A00] =	vst v63  }
0x1a: {  	_ =	swait.ge [sflag:s9], $0xD00  }
0x1b: {  	[sflag:s9] =	ssyncset.done $0x0  }
0x1c: {  	[sflag:s9] =	ssyncadd.s32 $0xFFFFF300  }
0x1d: {  	_ =	sfence.sel $0x180000  }
0x1e: {  	[bflag:$0x0] =	sbarrier.arrive $0xFFFF  }
0x1f: {  	p0 =	sne.s32 s1, $0x0;
	_ =	strace $0x9000004A  }
0x20: {  	s0 =	sadd.s32 @!p0 $0x100000, s0;
	[bflag:$0x2] =	sbarrier.arrive $0xFFFF  }
0x21: {  	[sflag:s0] =	ssyncadd.tile.s32 @!p0 $0x1;
	_ =	shalt  }
.Lfunc_end2:
_tile_overlayer_lowered:
.L_overlay_start_2:
0x22: {  	(tag) =	ssettag $0x2  }
0x23: {  	s0 =	rddreg [dreg:$0x0];
	s2 =	stileid.u32  }
0x24: {  	s1 =	rddreg [dreg:$0x1];
	p0 =	sne.s32 s2, $0x0  }
0x25: {  	s3 =	rddreg [dreg:$0x2];
	[bflag:$0x3] =	sbarrier.arrive $0xFFFF;
	s2 =	simm.s32 @!p0 $0x1C02  }
0x26: {  	[timem:s3], [sflag:s2] =	dma.local @!p0 [hbm:s0], s1  }
0x27: {  	s0 =	simm.s32 @!p0 $0x2  }
0x28: {  	_ =	swait.ge @!p0 [sflag:s0], s1  }
0x29: {  	s1 =	ssub.s32 @!p0 $0x0, s1;
	[sflag:s0] =	ssyncset.done @!p0 $0x0  }
0x2a: {  	[sflag:s0] =	ssyncadd.s32 @!p0 s1  }
0x2b: {  	[bflag:$0x3] =	sbarrier.arrive $0xFFFF  }
0x2c: {  	_ =	shalt  }

// kernel: kernel.8.cloned.1.call-start
scs
__scs_entry_jumppad:
0x0: {  	(pc) =	sbr.rel $0x88, $3  }
0x1: {  	(tag) =	ssettag $0x0;
	lr =	simm.s32 $0x1  }
0x2: {  	[smem:$0x3F95] =	sst lr;
	_ =	strace $0xD0000000  }
0x3: {  	_ = 	snop  }
0x4: {  	_ = 	snop  }
0x5: {  	_ = 	snop  }
0x6: {  	_ = 	snop  }
0x7: {  	_ = 	snop  }
__scs_overlays_trampoline_lowered:
0x8: {  	[smem:$0x3FA4] =	sst s0  }
0x9: {  	[smem:$0x3FA5] =	sst s1  }
0xa: {  	[smem:$0x3FA6] =	sst s2  }
0xb: {  	[smem:$0x3FA7] =	sst s3  }
0xc: {  	[smem:$0x3FA8] =	sst s4  }
0xd: {  	[smem:$0x3FA9] =	sst s5  }
0xe: {  	[smem:$0x3FAA] =	sst s6  }
0xf: {  	[smem:$0x3FAB] =	sst s7  }
0x10: {  	[smem:$0x3FAC] =	sst s8  }
0x11: {  	[smem:$0x3FAD] =	sst s9;
	s0 =	simm.s32 @!p0 $0x0  }
0x12: {  	s1 =	sld [smem:$0x3F93];
	s0 =	simm.s32 @p0 $0x1  }
0x13: {  	[smem:$0x3FAE] =	sst s0;
	s0 =	simm.s32 @!p1 $0x0  }
0x14: {  	s2 =	sld [smem:$0x3F92];
	s0 =	simm.s32 @p1 $0x1  }
0x15: {  	[smem:$0x3FAF] =	sst s0;
	s0 =	simm.s32 @!p2 $0x0  }
0x16: {  	s3 =	sld [smem:$0x3FDB];
	s0 =	simm.s32 @p2 $0x1  }
0x17: {  	s4 =	simm.s32 $0x1BF5;
	[smem:$0x3FB1] =	sst s0  }
0x18: {  	s0 =	sld [smem:$0x3F94];
	_ =	swait.ge [sflag:s4], $0x0  }
0x19: {  	s7 =	sld [smem:$0x3F95]  }
0x1a: {  	s8 =	sadd.s32 $0xFFFFE003, lr  }
0x1b: {  	s9 =	sadd.s32 $0xFFFFFEF7, lr;
	s5 =	simm.s32 $0xFFFFFFFF;
	p2 =	slt.u32 s8, $0xFFFFF086  }
0x1c: {  	p1 =	slt.u32 s9, $0xF7A;
	s5 =	simm.s32 @!p2 $0x0  }
0x1d: {  	s5 =	simm.s32 @p1 $0x1;
	p0 =	seq.s32 s7, s2  }
0x1e: {  	s7 =	smul.u32 @!p0 $0xF7A, s2;
	p2 =	seq.s32 @!p0 s5, $0x0  }
0x1f: {  	s9 =	smul.u32 $0xF7A, s1;
	s8 =	simm.s32 @!p0 $0x1BF5;
	p2 =	por !p2, p0  }
0x20: {  	[sflag:s8] =	ssyncset.s32 @!p0 $0xFFFFF086;
	s6 =	sadd.s32 @!p0 s3, s7;
	s7 =	simm.s32 @!p0 $0x108  }
0x21: {  	s3 =	sadd.s32 s3, s9;
	s6 =	sadd.s32 @!p0 $0x88, s6;
	s7 =	simm.s32 @p2 $0x1082  }
0x22: {  	[simem:s7], [sflag:s8] =	dma.local @!p0 [hbm:s6], $0xF7A  }
0x23: {  	s9 =	sor.u32 $0xD0000000, s2;
	s6 =	simm.s32 $0x108;
	_ =	swait.ge @!p0 [sflag:s8], $0x0  }
0x24: {  	s3 =	sadd.s32 $0x88, s3;
	s6 =	simm.s32 @!p1 $0x1082;
	[sflag:s4] =	ssyncset.s32 $0xFFFFF086  }
0x25: {  	[simem:s6], [sflag:s4] =	dma.local [hbm:s3], $0xF7A  }
0x26: {  	[smem:$0x3F95] =	sst s1;
	(tag) =	ssettag s2;
	_ =	strace s9  }
0x27: {  	s1 =	sld [smem:$0x3FA5]  }
0x28: {  	s2 =	sld [smem:$0x3FA6]  }
0x29: {  	s4 =	sld [smem:$0x3FA8]  }
0x2a: {  	p0 =	seq.s32 s5, $0x0;
	s5 =	sld [smem:$0x3FA9]  }
0x2b: {  	s6 =	sld [smem:$0x3FAA]  }
0x2c: {  	s7 =	sld [smem:$0x3FAB]  }
0x2d: {  	s3 =	simm.s32 $0x108;
	s8 =	sld [smem:$0x3FAC]  }
0x2e: {  	s3 =	simm.s32 @!p0 $0x1082;
	s9 =	sld [smem:$0x3FAD]  }
0x2f: {  	lr =	sadd.s32 s0, s3;
	s0 =	sld [smem:$0x3FA4]  }
0x30: {  	s3 =	sld [smem:$0x3FA7]  }
0x31: {  	[smem:$0x3FB0] =	sst s10  }
0x32: {  	s10 =	sld [smem:$0x3FAE];
	_ =	sdelay $0x3  }
0x33: {  	p0 =	seq.s32 s10, $0x1;
	s10 =	sld [smem:$0x3FB0];
	_ =	sdelay $0x3  }
0x34: {  	[smem:$0x3FB0] =	sst s10  }
0x35: {  	s10 =	sld [smem:$0x3FAF];
	_ =	sdelay $0x3  }
0x36: {  	p1 =	seq.s32 s10, $0x1;
	s10 =	sld [smem:$0x3FB0];
	_ =	sdelay $0x3  }
0x37: {  	[smem:$0x3FB0] =	sst s10  }
0x38: {  	s10 =	sld [smem:$0x3FB1]  }
0x39: {  	_ = 	snop;
	(pc) =	sbr.ind lr, $3  }
0x3a: {  	_ = 	snop  }
0x3b: {  	_ = 	snop  }
0x3c: {  	p2 =	seq.s32 s10, $0x1;
	s10 =	sld [smem:$0x3FB0]  }
0x3d: {  	_ =	shalt  }
0x3e: {  	_ =	shalt  }
0x3f: {  	_ =	shalt  }
0x40: {  	_ =	shalt  }
0x41: {  	_ =	shalt  }
0x42: {  	_ =	shalt  }
0x43: {  	_ =	shalt  }
0x44: {  	_ =	shalt  }
0x45: {  	_ =	shalt  }
0x46: {  	_ =	shalt  }
0x47: {  	_ =	shalt  }
0x48: {  	_ =	shalt  }
0x49: {  	_ =	shalt  }
0x4a: {  	_ =	shalt  }
0x4b: {  	_ =	shalt  }
0x4c: {  	_ =	shalt  }
0x4d: {  	_ =	shalt  }
0x4e: {  	_ =	shalt  }
0x4f: {  	_ =	shalt  }
0x50: {  	_ =	shalt  }
0x51: {  	_ =	shalt  }
0x52: {  	_ =	shalt  }
0x53: {  	_ =	shalt  }
0x54: {  	_ =	shalt  }
0x55: {  	_ =	shalt  }
0x56: {  	_ =	shalt  }
0x57: {  	_ =	shalt  }
0x58: {  	_ =	shalt  }
0x59: {  	_ =	shalt  }
0x5a: {  	_ =	shalt  }
0x5b: {  	_ =	shalt  }
0x5c: {  	_ =	shalt  }
0x5d: {  	_ =	shalt  }
0x5e: {  	_ =	shalt  }
0x5f: {  	_ =	shalt  }
0x60: {  	_ =	shalt  }
0x61: {  	_ =	shalt  }
0x62: {  	_ =	shalt  }
0x63: {  	_ =	shalt  }
0x64: {  	_ =	shalt  }
0x65: {  	_ =	shalt  }
0x66: {  	_ =	shalt  }
0x67: {  	_ =	shalt  }
0x68: {  	_ =	shalt  }
0x69: {  	_ =	shalt  }
0x6a: {  	_ =	shalt  }
0x6b: {  	_ =	shalt  }
0x6c: {  	_ =	shalt  }
0x6d: {  	_ =	shalt  }
0x6e: {  	_ =	shalt  }
0x6f: {  	_ =	shalt  }
0x70: {  	_ =	shalt  }
0x71: {  	_ =	shalt  }
0x72: {  	_ =	shalt  }
0x73: {  	_ =	shalt  }
0x74: {  	_ =	shalt  }
0x75: {  	_ =	shalt  }
0x76: {  	_ =	shalt  }
0x77: {  	_ =	shalt  }
0x78: {  	_ =	shalt  }
0x79: {  	_ =	shalt  }
0x7a: {  	_ =	shalt  }
0x7b: {  	_ =	shalt  }
0x7c: {  	_ =	shalt  }
0x7d: {  	_ =	shalt  }
0x7e: {  	_ =	shalt  }
0x7f: {  	_ =	shalt  }
0x80: {  	_ =	shalt  }
0x81: {  	_ =	shalt  }
0x82: {  	_ =	shalt  }
0x83: {  	_ =	shalt  }
0x84: {  	_ =	shalt  }
0x85: {  	_ =	shalt  }
0x86: {  	_ =	shalt  }
0x87: {  	_ =	shalt  }
.Lfunc_end0:
.L_simem_size_0:
called_computation.1_lowered:
.L_overlay_start_0:
0x88: {  	s2 =	sld [smem:$0x3FD9]  }
0x89: {  	s3 =	sld [smem:$0x3FFE];
	_ =	sdelay $0x1  }
0x8a: {  	s1 =	srdreg.scid  }
0x8b: {  	s0 =	sand.u32 $0x1, s1  }
0x8c: {  	s16 =	sshll.u32 s0, $0xA;
	s2 =	sadd.s32 s3, s2  }
0x8d: {  	s2 =	sadd.s32 s2, s16  }
0x8e: {  	[smem:$0x3FBC] =	sst s2  }
0x8f: {  	_ = 	snop  }
0x90: {  	(tm) =	ssettm $0x1  }
0x91: {  	s17 =	sld [smem:$0x3FFB];
	_ =	sdelay $0x3  }
0x92: {  	_ =	strace s17  }
0x93: {  	s2 =	sld [smem:$0x3FFC];
	_ =	sdelay $0x3  }
0x94: {  	_ =	strace s2  }
0x95: {  	s2 =	sld [smem:$0x3FFD];
	_ =	sdelay $0x3  }
0x96: {  	_ =	strace s2  }
0x97: {  	_ =	strace $0x8FFFFFFF  }
0x98: {  	s18 =	sld [smem:$0x3FDB];
	_ =	sdelay $0x1  }
0x99: {  	s19 =	simm.s32 $_scs_section_size  }
0x9a: {  	s4 =	simm.s32 $_size__tile_overlayer_lowered;
	s5 =	simm.s32 $_tile_overlayer_lowered  }
0x9b: {  	s22 =	simm.s32 $0x1BFF;
	s21 =	sshll.u32 s5, $0x1;
	s2 =	sadd.s32 s19, s18  }
0x9c: {  	s6 =	simm.s32 $0x0;
	s20 =	sshll.u32 s4, $0x1;
	s4 =	sadd.s32 s21, s2  }
0x9d: {  	[timem:s6], [sflag:s22] =	dma.local [hbm:s4], s20  }
0x9e: {  	_ =	swait.ge [sflag:s22], s20  }
0x9f: {  	s3 =	ssub.s32 $0x0, s20;
	[sflag:s22] =	ssyncset.done $0x0  }
0xa0: {  	[sflag:s22] =	ssyncadd.s32 s3;
	_ =	sdelay $0x1  }
0xa1: {  	s23 =	simm.s32 $0x1B8B  }
0xa2: {  	_ =	swait.ge [sflag:s23], $0x1  }
0xa3: {  	[sflag:s23] =	ssyncset.done $0x0  }
0xa4: {  	s25 =	simm.s32 $0x1B8E;
	s24 =	sld [smem:$0x3FFE];
	[sflag:s23] =	ssyncadd.s32 $0xFFFFFFFF  }
0xa5: {  	s26 =	simm.s32 $execute0_lowered;
	[smem:$0x3FD2] =	sst s25  }
0xa6: {  	s4 =	sshll.u32 s26, $0x1;
	_ =	strace $0x80000046;
	[dreg:$0x1] =	wrdreg $0xFFFFFFFF  }
0xa7: {  	s28 =	simm.s32 $_size_execute0_lowered;
	s2 =	sadd.s32 s2, s4;
	[dreg:$0x0] =	wrdreg $0x0  }
0xa8: {  	s4 =	sshll.u32 s28, $0x1;
	[dreg:$0x2] =	wrdreg s2  }
0xa9: {  	[dreg:$0x3] =	wrdreg s4  }
0xaa: {  	[dreg:$0x4] =	wrdreg $0xC0  }
0xab: {  	_ =	task [dreg:s6], $0x5FFFF  }
0xac: {  	[dreg:$0x1] =	wrdreg $0xFFFFFFFF  }
0xad: {  	[dreg:$0x0] =	wrdreg $0x60  }
0xae: {  	[dreg:$0x2] =	wrdreg s24  }
0xaf: {  	[dreg:$0x3] =	wrdreg $0xA  }
0xb0: {  	_ =	task.clear_ibuf [dreg:s6], $0x4FFFF;
	_ =	strace $0x90000046  }
0xb1: {  	s29 =	simm.s32 $0xA;
	_ =	strace $0x80000048  }
0xb2: {  	_ =	swait.ge [sflag:s29], $0x1  }
0xb3: {  	[sflag:s29] =	ssyncadd.s32 $0xFFFFFFFF  }
0xb4: {  	_ =	strace $0x90000048  }
0xb5: {  	_ =	sfence  }
0xb6: {  	s30 =	sld [smem:$0x0];
	_ =	sdelay $0x2  }
0xb7: {  	s31 =	sshll.u32 s1, $0xD;
	s1 =	sshrl.u32 s1, $0x2  }
0xb8: {  	s3 =	sand.u32 $0x4000, s31;
	s1 =	sadd.s32 s1, s30  }
0xb9: {  	s0 =	sor.u32 s3, s0;
	s1 =	sshll.u32 s1, $0x11  }
0xba: {  	s0 =	sor.u32 s1, s0  }
0xbb: {  	s0 =	sadd.s32 $0x8F2B, s0  }
0xbc: {  	[sflag:s0] =	ssyncadd.remote.s32 $0x1  }
0xbd: {  	_ =	sfence.sel $0xFFFF  }
0xbe: {  	[dreg:$0x0] =	wrdreg $0xFFFFFFFF;
	(pc) =	sbr.abs _section_cstart, $3  }
0xbf: {  	[dreg:$0x1] =	wrdreg $0xFFFFFFFF  }
0xc0: {  	_ =	task.clear_ibuf [dreg:s6], $0x2FFFF;
	_ =	strace $0x9FFFFFFF  }
0xc1: {  	(tm) =	ssettm $0x7FFFFFFF  }
tec
execute0_lowered:
.L_overlay_start_1:
0x0: {  	(tag) =	ssettag $0x1  }
0x1: {  	s3 =	rddreg [dreg:$0x0]  }
0x2: {  	s0 =	rddreg [dreg:$0x1]  }
0x3: {  	s2 =	simm.s32 $0x0;
	s4 =	srdreg.scid;
	s1 =	stileid.u32  }
0x4: {  	s8 =	simm.s32 $0x2;
	s9 =	simm.s32 $0x1;
	s10 =	simm.s32 $0xD00  }
0x5: {  	s11 =	simm.s32 $0x0;
	[smem:$0x7FF] =	sst s2;
	s4 =	sand.u32 $0x1, s4  }
0x6: {  	s5 =	sshll.u32 s1, $0x5;
	s7 =	sadd.s32 $0x5400, s3;
	s6 =	sshll.u32 s4, $0x4  }
0x7: {  	_ =	strace $0x80000047;
	s4 =	ssub.s32 $0x2, s4;
	s5 =	sor.u32 s6, s5  }
0x8: {  	[dreg:$0x2] =	wrdreg s7;
	s31 =	sshrl.u32 s4, $0x1;
	s5 =	sadd.s32 s5, s3  }
0x9: {  	s7 =	simm.s32 $0x1000;
	s6 =	ssub.s32 s4, s31;
	s3 =	sadd.s32 $0x2000, s5  }
0xa: {  	s4 =	sadd.s32 $0x4FAE00, s5;
	s5 =	smax.u32 s6, $0x1;
	s6 =	simm.s32 $0x80  }
.LBB2_1:
0xb: {  	[tilespmem:s2], [sflag:$0x2] =	stream.strided.gather [hbm4b:s3+s6], $0xD00, s7, s6, $0x38;
	[tilespmem:$0xDD00] =	vst v63  }
0xc: {  	_ =	swait.ge [sflag:s8], $0xD00  }
0xd: {  	s12 =	rddreg [dreg:$0x2];
	[sflag:s8] =	ssyncset.done $0x0  }
0xe: {  	s13 =	simm.s32 $0xD00;
	[sflag:s8] =	ssyncadd.s32 $0xFFFFF300;
	s12 =	sadd.s32 $0x0, s12  }
0xf: {  	[tilespmem:s13], [sflag:$0x1] =	stream.indirect.gather [hbm4b:s12+s6], $0x1, s2, s6, $0xb8;
	[tilespmem:$0xDD00] =	vst v63  }
0x10: {  	s26 =	simm.s32 $0xD80;
	s14 =	sadd.s32 $0x30D4, s12  }
0x11: {  	[tilespmem:s26], [sflag:$0x1] =	stream.indirect.gather [hbm4b:s14+s6], $0x1, s2, s6, $0xb8;
	[tilespmem:$0xDD00] =	vst v63  }
0x12: {  	s28 =	simm.s32 $0xE00;
	s29 =	sadd.s32 $0x61A8, s12  }
0x13: {  	[tilespmem:s28], [sflag:$0x1] =	stream.indirect.gather [hbm4b:s29+s6], $0x1, s2, s6, $0xb8;
	[tilespmem:$0xDD00] =	vst v63  }
0x14: {  	s30 =	simm.s32 $0xE80;
	s31 =	sadd.s32 $0x927C, s12  }
0x15: {  	[tilespmem:s30], [sflag:$0x1] =	stream.indirect.gather [hbm4b:s31+s6], $0x1, s2, s6, $0xb8;
	[tilespmem:$0xDD00] =	vst v63  }
0x16: {  	s15 =	sadd.s32 $0xC350, s12;
	s14 =	simm.s32 $0xF00  }
0x17: {  	[tilespmem:s14], [sflag:$0x1] =	stream.indirect.gather [hbm4b:s15+s6], $0x1, s2, s6, $0xb8;
	[tilespmem:$0xDD00] =	vst v63  }
0x18: {  	s16 =	simm.s32 $0xF80;
	s17 =	sadd.s32 $0xF424, s12  }
0x19: {  	[tilespmem:s16], [sflag:$0x1] =	stream.indirect.gather [hbm4b:s17+s6], $0x1, s2, s6, $0xb8;
	[tilespmem:$0xDD00] =	vst v63  }
0x1a: {  	s18 =	simm.s32 $0x1000;
	s19 =	sadd.s32 $0x124F8, s12  }
0x1b: {  	[tilespmem:s18], [sflag:$0x1] =	stream.indirect.gather [hbm4b:s19+s6], $0x1, s2, s6, $0xb8;
	[tilespmem:$0xDD00] =	vst v63  }
0x1c: {  	s20 =	simm.s32 $0x1080;
	s21 =	sadd.s32 $0x155CC, s12  }
0x1d: {  	[tilespmem:s20], [sflag:$0x1] =	stream.indirect.gather [hbm4b:s21+s6], $0x1, s2, s6, $0xb8;
	[tilespmem:$0xDD00] =	vst v63  }
0x1e: {  	s22 =	simm.s32 $0x1100;
	s23 =	sadd.s32 $0x186A0, s12  }
0x1f: {  	[tilespmem:s22], [sflag:$0x1] =	stream.indirect.gather [hbm4b:s23+s6], $0x1, s2, s6, $0xb8;
	[tilespmem:$0xDD00] =	vst v63  }
0x20: {  	s24 =	simm.s32 $0x1180;
	s25 =	sadd.s32 $0x1B774, s12;
	s13 =	simm.s32 $0x1480  }
0x21: {  	[tilespmem:s24], [sflag:$0x1] =	stream.indirect.gather [hbm4b:s25+s6], $0x1, s2, s6, $0xb8;
	[tilespmem:$0xDD00] =	vst v63  }
0x22: {  	s26 =	simm.s32 $0x1200;
	s28 =	sadd.s32 $0x1E848, s12;
	s29 =	simm.s32 $0x1280  }
0x23: {  	[tilespmem:s26], [sflag:$0x1] =	stream.indirect.gather [hbm4b:s28+s6], $0x1, s2, s6, $0xb8;
	[tilespmem:$0xDD00] =	vst v63  }
0x24: {  	s30 =	sadd.s32 $0x2191C, s12;
	s31 =	simm.s32 $0x1300;
	s15 =	sadd.s32 $0x249F0, s12  }
0x25: {  	[tilespmem:s29], [sflag:$0x1] =	stream.indirect.gather [hbm4b:s30+s6], $0x1, s2, s6, $0xb8;
	[tilespmem:$0xDD00] =	vst v63  }
0x26: {  	s14 =	simm.s32 $0x80;
	s16 =	simm.s32 $0x0;
	s18 =	simm.s32 $0x30D40  }
0x27: {  	[tilespmem:s31], [sflag:$0x1] =	stream.indirect.gather [hbm4b:s15+s6], $0x1, s2, s6, $0xb8;
	[tilespmem:$0xDD00] =	vst v63  }
0x28: {  	s19 =	simm.s32 $0x1380;
	s20 =	sadd.s32 $0x27AC4, s12;
	s15 =	simm.s32 $0x1C80  }
.LBB2_2:
0x29: {  	[tilespmem:s19], [sflag:$0x1] =	stream.indirect.gather [hbm4b:s20+s6], $0x1, s16, s6, $0xb8;
	[tilespmem:$0xDD00] =	vst v63  }
0x2a: {  	s17 =	sadd.s32 $0xFFFFFF80, s13;
	s21 =	sadd.s32 $0x2AB98, s12  }
0x2b: {  	[tilespmem:s17], [sflag:$0x1] =	stream.indirect.gather [hbm4b:s21+s6], $0x1, s16, s6, $0xb8;
	[tilespmem:$0xDD00] =	vst v63  }
0x2c: {  	s26 =	smov.u32 s18;
	s28 =	rddreg [dreg:$0x2];
	s30 =	sadd.s32 $0x2DC6C, s12  }
0x2d: {  	[tilespmem:s13], [sflag:$0x1] =	stream.indirect.gather [hbm4b:s30+s6], $0x1, s16, s6, $0xb8;
	[tilespmem:$0xDD00] =	vst v63  }
0x2e: {  	s29 =	sadd.s32 $0xFFFFF880, s15;
	s12 =	sadd.s32 s26, s28  }
0x2f: {  	[tilespmem:s29], [sflag:$0x1] =	stream.indirect.gather [hbm4b:s12+s6], $0x1, s14, s6, $0xb8;
	[tilespmem:$0xDD00] =	vst v63  }
0x30: {  	s31 =	sadd.s32 $0xFFFFF900, s15;
	s20 =	sadd.s32 $0x30D4, s12  }
0x31: {  	[tilespmem:s31], [sflag:$0x1] =	stream.indirect.gather [hbm4b:s20+s6], $0x1, s14, s6, $0xb8;
	[tilespmem:$0xDD00] =	vst v63  }
0x32: {  	s21 =	sadd.s32 $0xFFFFF980, s15;
	s22 =	sadd.s32 $0x61A8, s12  }
0x33: {  	[tilespmem:s21], [sflag:$0x1] =	stream.indirect.gather [hbm4b:s22+s6], $0x1, s14, s6, $0xb8;
	[tilespmem:$0xDD00] =	vst v63  }
0x34: {  	s23 =	sadd.s32 $0xFFFFFA00, s15;
	s24 =	sadd.s32 $0x927C, s12  }
0x35: {  	[tilespmem:s23], [sflag:$0x1] =	stream.indirect.gather [hbm4b:s24+s6], $0x1, s14, s6, $0xb8;
	[tilespmem:$0xDD00] =	vst v63  }
0x36: {  	s25 =	sadd.s32 $0xFFFFFA80, s15;
	s26 =	sadd.s32 $0xC350, s12  }
0x37: {  	[tilespmem:s25], [sflag:$0x1] =	stream.indirect.gather [hbm4b:s26+s6], $0x1, s14, s6, $0xb8;
	[tilespmem:$0xDD00] =	vst v63  }
0x38: {  	s28 =	sadd.s32 $0xFFFFFB00, s15;
	s29 =	sadd.s32 $0xF424, s12  }
0x39: {  	[tilespmem:s28], [sflag:$0x1] =	stream.indirect.gather [hbm4b:s29+s6], $0x1, s14, s6, $0xb8;
	[tilespmem:$0xDD00] =	vst v63  }
0x3a: {  	p0 =	sne.s32 s18, $0x4C4B40;
	s30 =	sadd.s32 $0xFFFFFB80, s15;
	s31 =	sadd.s32 $0x124F8, s12  }
0x3b: {  	[tilespmem:s30], [sflag:$0x1] =	stream.indirect.gather [hbm4b:s31+s6], $0x1, s14, s6, $0xb8;
	[tilespmem:$0xDD00] =	vst v63  }
0x3c: {  	s19 =	sadd.s32 $0xFFFFFC00, s15;
	s17 =	sadd.s32 $0x30D40, s18;
	s20 =	sadd.s32 $0x155CC, s12  }
0x3d: {  	[tilespmem:s19], [sflag:$0x1] =	stream.indirect.gather [hbm4b:s20+s6], $0x1, s14, s6, $0xb8;
	[tilespmem:$0xDD00] =	vst v63  }
0x3e: {  	s18 =	smov.u32 s17;
	s21 =	sadd.s32 $0xFFFFFC80, s15;
	s22 =	sadd.s32 $0x186A0, s12  }
0x3f: {  	[tilespmem:s21], [sflag:$0x1] =	stream.indirect.gather [hbm4b:s22+s6], $0x1, s14, s6, $0xb8;
	[tilespmem:$0xDD00] =	vst v63  }
0x40: {  	s16 =	smov.u32 s14;
	s23 =	sadd.s32 $0xFFFFFD00, s15;
	s24 =	sadd.s32 $0x1B774, s12  }
0x41: {  	[tilespmem:s23], [sflag:$0x1] =	stream.indirect.gather [hbm4b:s24+s6], $0x1, s14, s6, $0xb8;
	[tilespmem:$0xDD00] =	vst v63  }
0x42: {  	s13 =	smov.u32 s15;
	s25 =	sadd.s32 $0xFFFFFD80, s15;
	s26 =	sadd.s32 $0x1E848, s12  }
0x43: {  	[tilespmem:s25], [sflag:$0x1] =	stream.indirect.gather [hbm4b:s26+s6], $0x1, s14, s6, $0xb8;
	[tilespmem:$0xDD00] =	vst v63  }
.Ltmp0:
0x44: {  	s28 =	sadd.s32 $0xFFFFFE00, s15;
	s29 =	sadd.s32 $0x2191C, s12;
	(pc) =	sbr.rel @p0 .LBB2_2-.Ltmp0, $4  }
0x45: {  	s30 =	sadd.s32 $0xFFFFFE80, s15;
	s31 =	sadd.s32 $0x249F0, s12;
	s15 =	sadd.s32 $0x800, s15  }
0x46: {  	[tilespmem:s28], [sflag:$0x1] =	stream.indirect.gather [hbm4b:s29+s6], $0x1, s14, s6, $0xb8;
	[tilespmem:$0xDD00] =	vst v63  }
0x47: {  	s19 =	sadd.s32 $0xFFFFFF00, s13;
	s20 =	sadd.s32 $0x27AC4, s12;
	s14 =	sadd.s32 $0x80, s14  }
0x48: {  	[tilespmem:s30], [sflag:$0x1] =	stream.indirect.gather [hbm4b:s31+s6], $0x1, s16, s6, $0xb8;
	[tilespmem:$0xDD00] =	vst v63  }
0x49: {  	[tilespmem:s19], [sflag:$0x1] =	stream.indirect.gather [hbm4b:s20+s6], $0x1, s16, s6, $0xb8;
	[tilespmem:$0xDD00] =	vst v63  }
0x4a: {  	s14 =	sadd.s32 $0xFFFFFF80, s13;
	s15 =	sadd.s32 $0x2AB98, s12  }
0x4b: {  	[tilespmem:s14], [sflag:$0x1] =	stream.indirect.gather [hbm4b:s15+s6], $0x1, s16, s6, $0xb8;
	[tilespmem:$0xDD00] =	vst v63  }
0x4c: {  	s31 =	sadd.s32 $0x2DC6C, s12  }
0x4d: {  	[tilespmem:s13], [sflag:$0x1] =	stream.indirect.gather [hbm4b:s31+s6], $0x1, s16, s6, $0xb8;
	[tilespmem:$0xDD00] =	vst v63  }
0x4e: {  	s11 =	sadd.s32 $0x1, s11;
	_ =	swait.ge [sflag:s9], $0xD000  }
0x4f: {  	p0 =	sne.s32 s11, s5;
	[sflag:s9] =	ssyncset.done $0x0  }
.Ltmp1:
0x50: {  	[sflag:s9] =	ssyncadd.s32 $0xFFFF3000;
	(pc) =	sbr.rel @p0 .LBB2_1-.Ltmp1, $4  }
0x51: {  	[hbm4b:s4+s6] =	stream.strided.scatter [tilespmem:s10], [sflag:$0x2], $0xD000, s7, s6, $0x38;
	[tilespmem:$0xDD00] =	vst v63  }
0x52: {  	_ =	swait.ge [sflag:s8], $0xD000  }
0x53: {  	[sflag:s8] =	ssyncset.done $0x0  }
0x54: {  	[sflag:s8] =	ssyncadd.s32 $0xFFFF3000  }
0x55: {  	_ =	sfence.sel $0x180000  }
0x56: {  	[bflag:$0x0] =	sbarrier.arrive $0xFFFF  }
0x57: {  	p0 =	sne.s32 s1, $0x0;
	_ =	strace $0x90000047  }
0x58: {  	s0 =	sadd.s32 @!p0 $0x100000, s0;
	[bflag:$0x2] =	sbarrier.arrive $0xFFFF  }
0x59: {  	[sflag:s0] =	ssyncadd.tile.s32 @!p0 $0x1;
	_ =	shalt  }
.Lfunc_end2:
_tile_overlayer_lowered:
.L_overlay_start_2:
0x5a: {  	(tag) =	ssettag $0x2  }
0x5b: {  	s0 =	rddreg [dreg:$0x0];
	s2 =	stileid.u32  }
0x5c: {  	s1 =	rddreg [dreg:$0x1];
	p0 =	sne.s32 s2, $0x0  }
0x5d: {  	s3 =	rddreg [dreg:$0x2];
	[bflag:$0x3] =	sbarrier.arrive $0xFFFF;
	s2 =	simm.s32 @!p0 $0x1C02  }
0x5e: {  	[timem:s3], [sflag:s2] =	dma.local @!p0 [hbm:s0], s1  }
0x5f: {  	s0 =	simm.s32 @!p0 $0x2  }
0x60: {  	_ =	swait.ge @!p0 [sflag:s0], s1  }
0x61: {  	s1 =	ssub.s32 @!p0 $0x0, s1;
	[sflag:s0] =	ssyncset.done @!p0 $0x0  }
0x62: {  	[sflag:s0] =	ssyncadd.s32 @!p0 s1  }
0x63: {  	[bflag:$0x3] =	sbarrier.arrive $0xFFFF  }
0x64: {  	_ =	shalt  }

</sc_bundles>
